<compile_context>
chip_gen: v7x
topology: tpu7x:2x2x1
jax: 0.10.2.dev20260603
libtpu: 0.0.44.dev20260713+nightly
codegen_flags: <defaults>
</compile_context>

<pallas_src>
import functools

import jax
import jax.numpy as jnp
from jax import lax
from jax.experimental import pallas as pl
from jax.experimental.pallas import tpu as pltpu
from jax.experimental.pallas import tpu_sc as plsc

N = 16384
C = 1000
CPAD = 1024

NC = 2
NS = 16
NW = NC * NS
CHUNK = N // NW
JROWS = CHUNK // 128

ROWS_PER_BLOCK = 200
GRID = C // ROWS_PER_BLOCK
COL_SPLIT = 1
NCOL = N // COL_SPLIT


def _ce_body(x_ref, lab_ref, out_ref, macc, sacc, pacc):
    i = pl.program_id(1)

    @pl.when(i == 0)
    def _init():
        macc[...] = jnp.full((1, NCOL), -jnp.inf, jnp.float32)
        sacc[...] = jnp.zeros((1, NCOL), jnp.float32)
        pacc[...] = jnp.zeros((1, NCOL), jnp.float32)

    x = x_ref[...]
    lab = lab_ref[...]
    mold = macc[...]
    bm = jnp.max(x, axis=0, keepdims=True)
    mnew = jnp.maximum(mold, bm)
    e = jnp.exp(x - mnew)
    cls = lax.broadcasted_iota(jnp.int32, x.shape, 0) + i * ROWS_PER_BLOCK
    px = jnp.where(cls == lab[None, :], x, 0.0)
    ones_row = jnp.ones((1, ROWS_PER_BLOCK), jnp.float32)
    s_b = lax.dot_general(ones_row, e, (((1,), (0,)), ((), ())),
                          preferred_element_type=jnp.float32)
    p_b = lax.dot_general(ones_row, px, (((1,), (0,)), ((), ())),
                          preferred_element_type=jnp.float32)
    sacc[...] = sacc[...] * jnp.exp(mold - mnew) + s_b
    macc[...] = mnew
    pacc[...] = pacc[...] + p_b

    @pl.when(i == GRID - 1)
    def _finish():
        out_ref[...] = (macc[...] + jnp.log(sacc[...]) - pacc[...]
                        ).reshape(NCOL)


def _losses_tc(inputs_t, labels):
    return pl.pallas_call(
        _ce_body,
        grid=(COL_SPLIT, GRID),
        in_specs=[
            pl.BlockSpec((ROWS_PER_BLOCK, NCOL), lambda j, i: (i, j)),
            pl.BlockSpec((NCOL,), lambda j, i: (j,)),
        ],
        out_specs=pl.BlockSpec((NCOL,), lambda j, i: (j,)),
        out_shape=jax.ShapeDtypeStruct((N,), jnp.float32),
        scratch_shapes=[
            pltpu.VMEM((1, NCOL), jnp.float32),
            pltpu.VMEM((1, NCOL), jnp.float32),
            pltpu.VMEM((1, NCOL), jnp.float32),
        ],
        compiler_params=pltpu.CompilerParams(
            dimension_semantics=("arbitrary", "arbitrary"),
        ),
    )(inputs_t, labels)


def _sc_segment_sums(losses_r, labels_r):
    mesh = plsc.VectorSubcoreMesh(
        core_axis_name="c", subcore_axis_name="s",
        num_cores=NC, num_subcores=NS,
    )

    @functools.partial(
        pl.kernel,
        mesh=mesh,
        out_type=jax.ShapeDtypeStruct((NC, 2 * CPAD), jnp.float32),
        scratch_types=[
            pltpu.VMEM((JROWS, 128), jnp.int32),
            pltpu.VMEM((JROWS, 128), jnp.float32),
            pltpu.VMEM((128,), jnp.float32),
            pltpu.VMEM((CPAD,), jnp.float32),
            pltpu.VMEM_SHARED((CPAD,), jnp.float32),
            pltpu.VMEM_SHARED((CPAD,), jnp.float32),
        ],
    )
    def k(losses_hbm, labels_hbm, part_out,
          labv, lossv, onesv, zv, sh_sum, sh_cnt):
        c = lax.axis_index("c")
        s = lax.axis_index("s")
        wid = c * NS + s

        one16 = jnp.ones((16,), jnp.float32)
        for i in range(128 // 16):
            onesv[pl.ds(i * 16, 16)] = one16

        @pl.when(s == 0)
        def _zero():
            z16 = jnp.zeros((16,), jnp.float32)
            for i in range(CPAD // 16):
                zv[pl.ds(i * 16, 16)] = z16
            pltpu.sync_copy(zv, sh_sum)
            pltpu.sync_copy(zv, sh_cnt)

        pltpu.sync_copy(labels_hbm.at[wid], labv)
        pltpu.sync_copy(losses_hbm.at[wid], lossv)

        plsc.subcore_barrier()

        for j in range(JROWS):
            pltpu.sync_copy(lossv.at[j], sh_sum.at[labv.at[j]], add=True)
            pltpu.sync_copy(onesv, sh_cnt.at[labv.at[j]], add=True)

        plsc.subcore_barrier()

        @pl.when(s == 0)
        def _writeout():
            pltpu.sync_copy(sh_sum, part_out.at[c, pl.ds(0, CPAD)])
            pltpu.sync_copy(sh_cnt, part_out.at[c, pl.ds(CPAD, CPAD)])

    return k(losses_r, labels_r)


def kernel(inputs, labels):
    losses = _losses_tc(inputs.T, labels)
    losses_r = losses.reshape(NW, JROWS, 128)
    labels_r = labels.reshape(NW, JROWS, 128)
    part = _sc_segment_sums(losses_r, labels_r)
    tot = part.sum(axis=0)
    return (tot[:C], tot[CPAD:CPAD + C])

# --- scband reference (transcript-rebuilt; emitter-appended) ---
"""Pipeline reference for scband-cross-entropy-loss-per-class-73710228735005 (READ-ONLY COPY).

The authoritative reference and input builder live on the scoring server;
editing this copy changes nothing except your own understanding.
"""

import jax, jax.numpy as jnp
import numpy as np

N = 16384
C = 1000

def setup_inputs(seed: int = 0) -> dict:
    key = jax.random.key(seed)
    k1, k2 = jax.random.split(key)
    inputs = jax.random.normal(k1, (N, C), dtype=jnp.float32)
    labels = jax.random.randint(k2, (N,), 0, C, dtype=jnp.int32)
    return {"inputs": inputs, "labels": labels}

def reference(inputs, labels):
    num_classes = inputs.shape[1]
    # per-sample cross entropy, reduction='none'
    logZ = jax.scipy.special.logsumexp(inputs, axis=1)
    picked = jnp.take_along_axis(inputs, labels[:, None], axis=1)[:, 0]
    losses = logZ - picked
    # _groupby_sum: scatter-add losses and ones by class
    sum_by_class = jax.ops.segment_sum(losses, labels, num_segments=num_classes)
    label_counts = jax.ops.segment_sum(jnp.ones_like(losses), labels, num_segments=num_classes)
    return (sum_by_class, label_counts)

if __name__ == "__main__":
    import jax
    _d = setup_inputs()
    print(jax.jit(kernel)(*tuple(_d.values())))

</pallas_src>

<mosaic_0001>
#map = affine_map<(d0, d1) -> (0, 0, 0)>
#map1 = affine_map<(d0, d1) -> (0, 0)>
module attributes {stable_mosaic.version = 14 : i64} {
  func.func @k(%arg0: i32, %arg1: i32, %arg2: memref<32x4x128xf32, #tpu.memory_space<hbm>>, %arg3: memref<32x4x128xi32, #tpu.memory_space<hbm>>, %arg4: memref<2x2048xf32, #tpu.memory_space<hbm>>, %arg5: memref<4x128xi32, #tpu.memory_space<vmem>>, %arg6: memref<4x128xf32, #tpu.memory_space<vmem>>, %arg7: memref<128xf32, #tpu.memory_space<vmem>>, %arg8: memref<1024xf32, #tpu.memory_space<vmem>>, %arg9: memref<1024xf32, #tpu.memory_space<vmem_shared>>, %arg10: memref<1024xf32, #tpu.memory_space<vmem_shared>>) attributes {dimension_semantics = [#tpu.dimension_semantics<core_parallel>, #tpu.dimension_semantics<subcore_parallel>], iteration_bounds = array<i64: 2, 16>, scalar_prefetch = 0 : i64, scratch_operands = 6 : i64, tpu.core_type = #tpu.core_type<sc_vector_subcore>, window_params = [{transform_indices = #map}, {transform_indices = #map}, {transform_indices = #map1}]} {
    %mul3A = arith.constant 16 : i32
    %mul3A_0 = arith.muli %arg0, %mul3A : i32
    %add3A = arith.addi %mul3A_0, %arg1 : i32
    %broadcast_in_dim3A = arith.constant 1.000000e+00 : f32
    %broadcast_in_dim3A_1 = vector.broadcast %broadcast_in_dim3A : f32 to vector<16xf32>
    %swap3A = arith.constant 0 : index
    %swap3A_2 = tpu.vector_load %arg7[%swap3A] {strides = array<i32>} : memref<128xf32, #tpu.memory_space<vmem>>, vector<16xf32>,
    %swap3A_3 = vector.shape_cast %swap3A_2 : vector<16xf32> to vector<16xf32>
    %swap3A_4 = vector.shape_cast %broadcast_in_dim3A_1 : vector<16xf32> to vector<16xf32>
    tpu.vector_store %arg7[%swap3A], %swap3A_4 {strides = array<i32>} : memref<128xf32, #tpu.memory_space<vmem>>, vector<16xf32>,
    %swap3A_5 = arith.constant 16 : index
    %swap3A_6 = tpu.vector_load %arg7[%swap3A_5] {strides = array<i32>} : memref<128xf32, #tpu.memory_space<vmem>>, vector<16xf32>,
    %swap3A_7 = vector.shape_cast %swap3A_6 : vector<16xf32> to vector<16xf32>
    %swap3A_8 = vector.shape_cast %broadcast_in_dim3A_1 : vector<16xf32> to vector<16xf32>
    tpu.vector_store %arg7[%swap3A_5], %swap3A_8 {strides = array<i32>} : memref<128xf32, #tpu.memory_space<vmem>>, vector<16xf32>,
    %swap3A_9 = arith.constant 32 : index
    %swap3A_10 = tpu.vector_load %arg7[%swap3A_9] {strides = array<i32>} : memref<128xf32, #tpu.memory_space<vmem>>, vector<16xf32>,
    %swap3A_11 = vector.shape_cast %swap3A_10 : vector<16xf32> to vector<16xf32>
    %swap3A_12 = vector.shape_cast %broadcast_in_dim3A_1 : vector<16xf32> to vector<16xf32>
    tpu.vector_store %arg7[%swap3A_9], %swap3A_12 {strides = array<i32>} : memref<128xf32, #tpu.memory_space<vmem>>, vector<16xf32>,
    %swap3A_13 = arith.constant 48 : index
    %swap3A_14 = tpu.vector_load %arg7[%swap3A_13] {strides = array<i32>} : memref<128xf32, #tpu.memory_space<vmem>>, vector<16xf32>,
    %swap3A_15 = vector.shape_cast %swap3A_14 : vector<16xf32> to vector<16xf32>
    %swap3A_16 = vector.shape_cast %broadcast_in_dim3A_1 : vector<16xf32> to vector<16xf32>
    tpu.vector_store %arg7[%swap3A_13], %swap3A_16 {strides = array<i32>} : memref<128xf32, #tpu.memory_space<vmem>>, vector<16xf32>,
    %swap3A_17 = arith.constant 64 : index
    %swap3A_18 = tpu.vector_load %arg7[%swap3A_17] {strides = array<i32>} : memref<128xf32, #tpu.memory_space<vmem>>, vector<16xf32>,
    %swap3A_19 = vector.shape_cast %swap3A_18 : vector<16xf32> to vector<16xf32>
    %swap3A_20 = vector.shape_cast %broadcast_in_dim3A_1 : vector<16xf32> to vector<16xf32>
    tpu.vector_store %arg7[%swap3A_17], %swap3A_20 {strides = array<i32>} : memref<128xf32, #tpu.memory_space<vmem>>, vector<16xf32>,
    %swap3A_21 = arith.constant 80 : index
    %swap3A_22 = tpu.vector_load %arg7[%swap3A_21] {strides = array<i32>} : memref<128xf32, #tpu.memory_space<vmem>>, vector<16xf32>,
    %swap3A_23 = vector.shape_cast %swap3A_22 : vector<16xf32> to vector<16xf32>
    %swap3A_24 = vector.shape_cast %broadcast_in_dim3A_1 : vector<16xf32> to vector<16xf32>
    tpu.vector_store %arg7[%swap3A_21], %swap3A_24 {strides = array<i32>} : memref<128xf32, #tpu.memory_space<vmem>>, vector<16xf32>,
    %swap3A_25 = arith.constant 96 : index
    %swap3A_26 = tpu.vector_load %arg7[%swap3A_25] {strides = array<i32>} : memref<128xf32, #tpu.memory_space<vmem>>, vector<16xf32>,
    %swap3A_27 = vector.shape_cast %swap3A_26 : vector<16xf32> to vector<16xf32>
    %swap3A_28 = vector.shape_cast %broadcast_in_dim3A_1 : vector<16xf32> to vector<16xf32>
    tpu.vector_store %arg7[%swap3A_25], %swap3A_28 {strides = array<i32>} : memref<128xf32, #tpu.memory_space<vmem>>, vector<16xf32>,
    %swap3A_29 = arith.constant 112 : index
    %swap3A_30 = tpu.vector_load %arg7[%swap3A_29] {strides = array<i32>} : memref<128xf32, #tpu.memory_space<vmem>>, vector<16xf32>,
    %swap3A_31 = vector.shape_cast %swap3A_30 : vector<16xf32> to vector<16xf32>
    %swap3A_32 = vector.shape_cast %broadcast_in_dim3A_1 : vector<16xf32> to vector<16xf32>
    tpu.vector_store %arg7[%swap3A_29], %swap3A_32 {strides = array<i32>} : memref<128xf32, #tpu.memory_space<vmem>>, vector<16xf32>,
    %eq3A = arith.constant 0 : i32
    %eq3A_33 = arith.cmpi eq, %arg1, %eq3A : i32
    %convert_element_type3A = arith.extui %eq3A_33 : i1 to i32
    %cond3A = arith.constant 0 : i32
    %cond3A_34 = arith.cmpi ne, %convert_element_type3A, %cond3A : i32
    scf.if %cond3A_34 {
      %broadcast_in_dim3A_52 = arith.constant 0.000000e+00 : f32
      %broadcast_in_dim3A_53 = vector.broadcast %broadcast_in_dim3A_52 : f32 to vector<16xf32>
      %swap3A_54 = arith.constant 0 : index
      %swap3A_55 = tpu.vector_load %arg8[%swap3A_54] {strides = array<i32>} : memref<1024xf32, #tpu.memory_space<vmem>>, vector<16xf32>,
      %swap3A_56 = vector.shape_cast %swap3A_55 : vector<16xf32> to vector<16xf32>
      %swap3A_57 = vector.shape_cast %broadcast_in_dim3A_53 : vector<16xf32> to vector<16xf32>
      tpu.vector_store %arg8[%swap3A_54], %swap3A_57 {strides = array<i32>} : memref<1024xf32, #tpu.memory_space<vmem>>, vector<16xf32>,
      %swap3A_58 = arith.constant 16 : index
      %swap3A_59 = tpu.vector_load %arg8[%swap3A_58] {strides = array<i32>} : memref<1024xf32, #tpu.memory_space<vmem>>, vector<16xf32>,
      %swap3A_60 = vector.shape_cast %swap3A_59 : vector<16xf32> to vector<16xf32>
      %swap3A_61 = vector.shape_cast %broadcast_in_dim3A_53 : vector<16xf32> to vector<16xf32>
      tpu.vector_store %arg8[%swap3A_58], %swap3A_61 {strides = array<i32>} : memref<1024xf32, #tpu.memory_space<vmem>>, vector<16xf32>,
      %swap3A_62 = arith.constant 32 : index
      %swap3A_63 = tpu.vector_load %arg8[%swap3A_62] {strides = array<i32>} : memref<1024xf32, #tpu.memory_space<vmem>>, vector<16xf32>,
      %swap3A_64 = vector.shape_cast %swap3A_63 : vector<16xf32> to vector<16xf32>
      %swap3A_65 = vector.shape_cast %broadcast_in_dim3A_53 : vector<16xf32> to vector<16xf32>
      tpu.vector_store %arg8[%swap3A_62], %swap3A_65 {strides = array<i32>} : memref<1024xf32, #tpu.memory_space<vmem>>, vector<16xf32>,
      %swap3A_66 = arith.constant 48 : index
      %swap3A_67 = tpu.vector_load %arg8[%swap3A_66] {strides = array<i32>} : memref<1024xf32, #tpu.memory_space<vmem>>, vector<16xf32>,
      %swap3A_68 = vector.shape_cast %swap3A_67 : vector<16xf32> to vector<16xf32>
      %swap3A_69 = vector.shape_cast %broadcast_in_dim3A_53 : vector<16xf32> to vector<16xf32>
      tpu.vector_store %arg8[%swap3A_66], %swap3A_69 {strides = array<i32>} : memref<1024xf32, #tpu.memory_space<vmem>>, vector<16xf32>,
      %swap3A_70 = arith.constant 64 : index
      %swap3A_71 = tpu.vector_load %arg8[%swap3A_70] {strides = array<i32>} : memref<1024xf32, #tpu.memory_space<vmem>>, vector<16xf32>,
      %swap3A_72 = vector.shape_cast %swap3A_71 : vector<16xf32> to vector<16xf32>
      %swap3A_73 = vector.shape_cast %broadcast_in_dim3A_53 : vector<16xf32> to vector<16xf32>
      tpu.vector_store %arg8[%swap3A_70], %swap3A_73 {strides = array<i32>} : memref<1024xf32, #tpu.memory_space<vmem>>, vector<16xf32>,
      %swap3A_74 = arith.constant 80 : index
      %swap3A_75 = tpu.vector_load %arg8[%swap3A_74] {strides = array<i32>} : memref<1024xf32, #tpu.memory_space<vmem>>, vector<16xf32>,
      %swap3A_76 = vector.shape_cast %swap3A_75 : vector<16xf32> to vector<16xf32>
      %swap3A_77 = vector.shape_cast %broadcast_in_dim3A_53 : vector<16xf32> to vector<16xf32>
      tpu.vector_store %arg8[%swap3A_74], %swap3A_77 {strides = array<i32>} : memref<1024xf32, #tpu.memory_space<vmem>>, vector<16xf32>,
      %swap3A_78 = arith.constant 96 : index
      %swap3A_79 = tpu.vector_load %arg8[%swap3A_78] {strides = array<i32>} : memref<1024xf32, #tpu.memory_space<vmem>>, vector<16xf32>,
      %swap3A_80 = vector.shape_cast %swap3A_79 : vector<16xf32> to vector<16xf32>
      %swap3A_81 = vector.shape_cast %broadcast_in_dim3A_53 : vector<16xf32> to vector<16xf32>
      tpu.vector_store %arg8[%swap3A_78], %swap3A_81 {strides = array<i32>} : memref<1024xf32, #tpu.memory_space<vmem>>, vector<16xf32>,
      %swap3A_82 = arith.constant 112 : index
      %swap3A_83 = tpu.vector_load %arg8[%swap3A_82] {strides = array<i32>} : memref<1024xf32, #tpu.memory_space<vmem>>, vector<16xf32>,
      %swap3A_84 = vector.shape_cast %swap3A_83 : vector<16xf32> to vector<16xf32>
      %swap3A_85 = vector.shape_cast %broadcast_in_dim3A_53 : vector<16xf32> to vector<16xf32>
      tpu.vector_store %arg8[%swap3A_82], %swap3A_85 {strides = array<i32>} : memref<1024xf32, #tpu.memory_space<vmem>>, vector<16xf32>,
      %swap3A_86 = arith.constant 128 : index
      %swap3A_87 = tpu.vector_load %arg8[%swap3A_86] {strides = array<i32>} : memref<1024xf32, #tpu.memory_space<vmem>>, vector<16xf32>,
      %swap3A_88 = vector.shape_cast %swap3A_87 : vector<16xf32> to vector<16xf32>
      %swap3A_89 = vector.shape_cast %broadcast_in_dim3A_53 : vector<16xf32> to vector<16xf32>
      tpu.vector_store %arg8[%swap3A_86], %swap3A_89 {strides = array<i32>} : memref<1024xf32, #tpu.memory_space<vmem>>, vector<16xf32>,
      %swap3A_90 = arith.constant 144 : index
      %swap3A_91 = tpu.vector_load %arg8[%swap3A_90] {strides = array<i32>} : memref<1024xf32, #tpu.memory_space<vmem>>, vector<16xf32>,
      %swap3A_92 = vector.shape_cast %swap3A_91 : vector<16xf32> to vector<16xf32>
      %swap3A_93 = vector.shape_cast %broadcast_in_dim3A_53 : vector<16xf32> to vector<16xf32>
      tpu.vector_store %arg8[%swap3A_90], %swap3A_93 {strides = array<i32>} : memref<1024xf32, #tpu.memory_space<vmem>>, vector<16xf32>,
      %swap3A_94 = arith.constant 160 : index
      %swap3A_95 = tpu.vector_load %arg8[%swap3A_94] {strides = array<i32>} : memref<1024xf32, #tpu.memory_space<vmem>>, vector<16xf32>,
      %swap3A_96 = vector.shape_cast %swap3A_95 : vector<16xf32> to vector<16xf32>
      %swap3A_97 = vector.shape_cast %broadcast_in_dim3A_53 : vector<16xf32> to vector<16xf32>
      tpu.vector_store %arg8[%swap3A_94], %swap3A_97 {strides = array<i32>} : memref<1024xf32, #tpu.memory_space<vmem>>, vector<16xf32>,
      %swap3A_98 = arith.constant 176 : index
      %swap3A_99 = tpu.vector_load %arg8[%swap3A_98] {strides = array<i32>} : memref<1024xf32, #tpu.memory_space<vmem>>, vector<16xf32>,
      %swap3A_100 = vector.shape_cast %swap3A_99 : vector<16xf32> to vector<16xf32>
      %swap3A_101 = vector.shape_cast %broadcast_in_dim3A_53 : vector<16xf32> to vector<16xf32>
      tpu.vector_store %arg8[%swap3A_98], %swap3A_101 {strides = array<i32>} : memref<1024xf32, #tpu.memory_space<vmem>>, vector<16xf32>,
      %swap3A_102 = arith.constant 192 : index
      %swap3A_103 = tpu.vector_load %arg8[%swap3A_102] {strides = array<i32>} : memref<1024xf32, #tpu.memory_space<vmem>>, vector<16xf32>,
      %swap3A_104 = vector.shape_cast %swap3A_103 : vector<16xf32> to vector<16xf32>
      %swap3A_105 = vector.shape_cast %broadcast_in_dim3A_53 : vector<16xf32> to vector<16xf32>
      tpu.vector_store %arg8[%swap3A_102], %swap3A_105 {strides = array<i32>} : memref<1024xf32, #tpu.memory_space<vmem>>, vector<16xf32>,
      %swap3A_106 = arith.constant 208 : index
      %swap3A_107 = tpu.vector_load %arg8[%swap3A_106] {strides = array<i32>} : memref<1024xf32, #tpu.memory_space<vmem>>, vector<16xf32>,
      %swap3A_108 = vector.shape_cast %swap3A_107 : vector<16xf32> to vector<16xf32>
      %swap3A_109 = vector.shape_cast %broadcast_in_dim3A_53 : vector<16xf32> to vector<16xf32>
      tpu.vector_store %arg8[%swap3A_106], %swap3A_109 {strides = array<i32>} : memref<1024xf32, #tpu.memory_space<vmem>>, vector<16xf32>,
      %swap3A_110 = arith.constant 224 : index
      %swap3A_111 = tpu.vector_load %arg8[%swap3A_110] {strides = array<i32>} : memref<1024xf32, #tpu.memory_space<vmem>>, vector<16xf32>,
      %swap3A_112 = vector.shape_cast %swap3A_111 : vector<16xf32> to vector<16xf32>
      %swap3A_113 = vector.shape_cast %broadcast_in_dim3A_53 : vector<16xf32> to vector<16xf32>
      tpu.vector_store %arg8[%swap3A_110], %swap3A_113 {strides = array<i32>} : memref<1024xf32, #tpu.memory_space<vmem>>, vector<16xf32>,
      %swap3A_114 = arith.constant 240 : index
      %swap3A_115 = tpu.vector_load %arg8[%swap3A_114] {strides = array<i32>} : memref<1024xf32, #tpu.memory_space<vmem>>, vector<16xf32>,
      %swap3A_116 = vector.shape_cast %swap3A_115 : vector<16xf32> to vector<16xf32>
      %swap3A_117 = vector.shape_cast %broadcast_in_dim3A_53 : vector<16xf32> to vector<16xf32>
      tpu.vector_store %arg8[%swap3A_114], %swap3A_117 {strides = array<i32>} : memref<1024xf32, #tpu.memory_space<vmem>>, vector<16xf32>,
      %swap3A_118 = arith.constant 256 : index
      %swap3A_119 = tpu.vector_load %arg8[%swap3A_118] {strides = array<i32>} : memref<1024xf32, #tpu.memory_space<vmem>>, vector<16xf32>,
      %swap3A_120 = vector.shape_cast %swap3A_119 : vector<16xf32> to vector<16xf32>
      %swap3A_121 = vector.shape_cast %broadcast_in_dim3A_53 : vector<16xf32> to vector<16xf32>
      tpu.vector_store %arg8[%swap3A_118], %swap3A_121 {strides = array<i32>} : memref<1024xf32, #tpu.memory_space<vmem>>, vector<16xf32>,
      %swap3A_122 = arith.constant 272 : index
      %swap3A_123 = tpu.vector_load %arg8[%swap3A_122] {strides = array<i32>} : memref<1024xf32, #tpu.memory_space<vmem>>, vector<16xf32>,
      %swap3A_124 = vector.shape_cast %swap3A_123 : vector<16xf32> to vector<16xf32>
      %swap3A_125 = vector.shape_cast %broadcast_in_dim3A_53 : vector<16xf32> to vector<16xf32>
      tpu.vector_store %arg8[%swap3A_122], %swap3A_125 {strides = array<i32>} : memref<1024xf32, #tpu.memory_space<vmem>>, vector<16xf32>,
      %swap3A_126 = arith.constant 288 : index
      %swap3A_127 = tpu.vector_load %arg8[%swap3A_126] {strides = array<i32>} : memref<1024xf32, #tpu.memory_space<vmem>>, vector<16xf32>,
      %swap3A_128 = vector.shape_cast %swap3A_127 : vector<16xf32> to vector<16xf32>
      %swap3A_129 = vector.shape_cast %broadcast_in_dim3A_53 : vector<16xf32> to vector<16xf32>
      tpu.vector_store %arg8[%swap3A_126], %swap3A_129 {strides = array<i32>} : memref<1024xf32, #tpu.memory_space<vmem>>, vector<16xf32>,
      %swap3A_130 = arith.constant 304 : index
      %swap3A_131 = tpu.vector_load %arg8[%swap3A_130] {strides = array<i32>} : memref<1024xf32, #tpu.memory_space<vmem>>, vector<16xf32>,
      %swap3A_132 = vector.shape_cast %swap3A_131 : vector<16xf32> to vector<16xf32>
      %swap3A_133 = vector.shape_cast %broadcast_in_dim3A_53 : vector<16xf32> to vector<16xf32>
      tpu.vector_store %arg8[%swap3A_130], %swap3A_133 {strides = array<i32>} : memref<1024xf32, #tpu.memory_space<vmem>>, vector<16xf32>,
      %swap3A_134 = arith.constant 320 : index
      %swap3A_135 = tpu.vector_load %arg8[%swap3A_134] {strides = array<i32>} : memref<1024xf32, #tpu.memory_space<vmem>>, vector<16xf32>,
      %swap3A_136 = vector.shape_cast %swap3A_135 : vector<16xf32> to vector<16xf32>
      %swap3A_137 = vector.shape_cast %broadcast_in_dim3A_53 : vector<16xf32> to vector<16xf32>
      tpu.vector_store %arg8[%swap3A_134], %swap3A_137 {strides = array<i32>} : memref<1024xf32, #tpu.memory_space<vmem>>, vector<16xf32>,
      %swap3A_138 = arith.constant 336 : index
      %swap3A_139 = tpu.vector_load %arg8[%swap3A_138] {strides = array<i32>} : memref<1024xf32, #tpu.memory_space<vmem>>, vector<16xf32>,
      %swap3A_140 = vector.shape_cast %swap3A_139 : vector<16xf32> to vector<16xf32>
      %swap3A_141 = vector.shape_cast %broadcast_in_dim3A_53 : vector<16xf32> to vector<16xf32>
      tpu.vector_store %arg8[%swap3A_138], %swap3A_141 {strides = array<i32>} : memref<1024xf32, #tpu.memory_space<vmem>>, vector<16xf32>,
      %swap3A_142 = arith.constant 352 : index
      %swap3A_143 = tpu.vector_load %arg8[%swap3A_142] {strides = array<i32>} : memref<1024xf32, #tpu.memory_space<vmem>>, vector<16xf32>,
      %swap3A_144 = vector.shape_cast %swap3A_143 : vector<16xf32> to vector<16xf32>
      %swap3A_145 = vector.shape_cast %broadcast_in_dim3A_53 : vector<16xf32> to vector<16xf32>
      tpu.vector_store %arg8[%swap3A_142], %swap3A_145 {strides = array<i32>} : memref<1024xf32, #tpu.memory_space<vmem>>, vector<16xf32>,
      %swap3A_146 = arith.constant 368 : index
      %swap3A_147 = tpu.vector_load %arg8[%swap3A_146] {strides = array<i32>} : memref<1024xf32, #tpu.memory_space<vmem>>, vector<16xf32>,
      %swap3A_148 = vector.shape_cast %swap3A_147 : vector<16xf32> to vector<16xf32>
      %swap3A_149 = vector.shape_cast %broadcast_in_dim3A_53 : vector<16xf32> to vector<16xf32>
      tpu.vector_store %arg8[%swap3A_146], %swap3A_149 {strides = array<i32>} : memref<1024xf32, #tpu.memory_space<vmem>>, vector<16xf32>,
      %swap3A_150 = arith.constant 384 : index
      %swap3A_151 = tpu.vector_load %arg8[%swap3A_150] {strides = array<i32>} : memref<1024xf32, #tpu.memory_space<vmem>>, vector<16xf32>,
      %swap3A_152 = vector.shape_cast %swap3A_151 : vector<16xf32> to vector<16xf32>
      %swap3A_153 = vector.shape_cast %broadcast_in_dim3A_53 : vector<16xf32> to vector<16xf32>
      tpu.vector_store %arg8[%swap3A_150], %swap3A_153 {strides = array<i32>} : memref<1024xf32, #tpu.memory_space<vmem>>, vector<16xf32>,
      %swap3A_154 = arith.constant 400 : index
      %swap3A_155 = tpu.vector_load %arg8[%swap3A_154] {strides = array<i32>} : memref<1024xf32, #tpu.memory_space<vmem>>, vector<16xf32>,
      %swap3A_156 = vector.shape_cast %swap3A_155 : vector<16xf32> to vector<16xf32>
      %swap3A_157 = vector.shape_cast %broadcast_in_dim3A_53 : vector<16xf32> to vector<16xf32>
      tpu.vector_store %arg8[%swap3A_154], %swap3A_157 {strides = array<i32>} : memref<1024xf32, #tpu.memory_space<vmem>>, vector<16xf32>,
      %swap3A_158 = arith.constant 416 : index
      %swap3A_159 = tpu.vector_load %arg8[%swap3A_158] {strides = array<i32>} : memref<1024xf32, #tpu.memory_space<vmem>>, vector<16xf32>,
      %swap3A_160 = vector.shape_cast %swap3A_159 : vector<16xf32> to vector<16xf32>
      %swap3A_161 = vector.shape_cast %broadcast_in_dim3A_53 : vector<16xf32> to vector<16xf32>
      tpu.vector_store %arg8[%swap3A_158], %swap3A_161 {strides = array<i32>} : memref<1024xf32, #tpu.memory_space<vmem>>, vector<16xf32>,
      %swap3A_162 = arith.constant 432 : index
      %swap3A_163 = tpu.vector_load %arg8[%swap3A_162] {strides = array<i32>} : memref<1024xf32, #tpu.memory_space<vmem>>, vector<16xf32>,
      %swap3A_164 = vector.shape_cast %swap3A_163 : vector<16xf32> to vector<16xf32>
      %swap3A_165 = vector.shape_cast %broadcast_in_dim3A_53 : vector<16xf32> to vector<16xf32>
      tpu.vector_store %arg8[%swap3A_162], %swap3A_165 {strides = array<i32>} : memref<1024xf32, #tpu.memory_space<vmem>>, vector<16xf32>,
      %swap3A_166 = arith.constant 448 : index
      %swap3A_167 = tpu.vector_load %arg8[%swap3A_166] {strides = array<i32>} : memref<1024xf32, #tpu.memory_space<vmem>>, vector<16xf32>,
      %swap3A_168 = vector.shape_cast %swap3A_167 : vector<16xf32> to vector<16xf32>
      %swap3A_169 = vector.shape_cast %broadcast_in_dim3A_53 : vector<16xf32> to vector<16xf32>
      tpu.vector_store %arg8[%swap3A_166], %swap3A_169 {strides = array<i32>} : memref<1024xf32, #tpu.memory_space<vmem>>, vector<16xf32>,
      %swap3A_170 = arith.constant 464 : index
      %swap3A_171 = tpu.vector_load %arg8[%swap3A_170] {strides = array<i32>} : memref<1024xf32, #tpu.memory_space<vmem>>, vector<16xf32>,
      %swap3A_172 = vector.shape_cast %swap3A_171 : vector<16xf32> to vector<16xf32>
      %swap3A_173 = vector.shape_cast %broadcast_in_dim3A_53 : vector<16xf32> to vector<16xf32>
      tpu.vector_store %arg8[%swap3A_170], %swap3A_173 {strides = array<i32>} : memref<1024xf32, #tpu.memory_space<vmem>>, vector<16xf32>,
      %swap3A_174 = arith.constant 480 : index
      %swap3A_175 = tpu.vector_load %arg8[%swap3A_174] {strides = array<i32>} : memref<1024xf32, #tpu.memory_space<vmem>>, vector<16xf32>,
      %swap3A_176 = vector.shape_cast %swap3A_175 : vector<16xf32> to vector<16xf32>
      %swap3A_177 = vector.shape_cast %broadcast_in_dim3A_53 : vector<16xf32> to vector<16xf32>
      tpu.vector_store %arg8[%swap3A_174], %swap3A_177 {strides = array<i32>} : memref<1024xf32, #tpu.memory_space<vmem>>, vector<16xf32>,
      %swap3A_178 = arith.constant 496 : index
      %swap3A_179 = tpu.vector_load %arg8[%swap3A_178] {strides = array<i32>} : memref<1024xf32, #tpu.memory_space<vmem>>, vector<16xf32>,
      %swap3A_180 = vector.shape_cast %swap3A_179 : vector<16xf32> to vector<16xf32>
      %swap3A_181 = vector.shape_cast %broadcast_in_dim3A_53 : vector<16xf32> to vector<16xf32>
      tpu.vector_store %arg8[%swap3A_178], %swap3A_181 {strides = array<i32>} : memref<1024xf32, #tpu.memory_space<vmem>>, vector<16xf32>,
      %swap3A_182 = arith.constant 512 : index
      %swap3A_183 = tpu.vector_load %arg8[%swap3A_182] {strides = array<i32>} : memref<1024xf32, #tpu.memory_space<vmem>>, vector<16xf32>,
      %swap3A_184 = vector.shape_cast %swap3A_183 : vector<16xf32> to vector<16xf32>
      %swap3A_185 = vector.shape_cast %broadcast_in_dim3A_53 : vector<16xf32> to vector<16xf32>
      tpu.vector_store %arg8[%swap3A_182], %swap3A_185 {strides = array<i32>} : memref<1024xf32, #tpu.memory_space<vmem>>, vector<16xf32>,
      %swap3A_186 = arith.constant 528 : index
      %swap3A_187 = tpu.vector_load %arg8[%swap3A_186] {strides = array<i32>} : memref<1024xf32, #tpu.memory_space<vmem>>, vector<16xf32>,
      %swap3A_188 = vector.shape_cast %swap3A_187 : vector<16xf32> to vector<16xf32>
      %swap3A_189 = vector.shape_cast %broadcast_in_dim3A_53 : vector<16xf32> to vector<16xf32>
      tpu.vector_store %arg8[%swap3A_186], %swap3A_189 {strides = array<i32>} : memref<1024xf32, #tpu.memory_space<vmem>>, vector<16xf32>,
      %swap3A_190 = arith.constant 544 : index
      %swap3A_191 = tpu.vector_load %arg8[%swap3A_190] {strides = array<i32>} : memref<1024xf32, #tpu.memory_space<vmem>>, vector<16xf32>,
      %swap3A_192 = vector.shape_cast %swap3A_191 : vector<16xf32> to vector<16xf32>
      %swap3A_193 = vector.shape_cast %broadcast_in_dim3A_53 : vector<16xf32> to vector<16xf32>
      tpu.vector_store %arg8[%swap3A_190], %swap3A_193 {strides = array<i32>} : memref<1024xf32, #tpu.memory_space<vmem>>, vector<16xf32>,
      %swap3A_194 = arith.constant 560 : index
      %swap3A_195 = tpu.vector_load %arg8[%swap3A_194] {strides = array<i32>} : memref<1024xf32, #tpu.memory_space<vmem>>, vector<16xf32>,
      %swap3A_196 = vector.shape_cast %swap3A_195 : vector<16xf32> to vector<16xf32>
      %swap3A_197 = vector.shape_cast %broadcast_in_dim3A_53 : vector<16xf32> to vector<16xf32>
      tpu.vector_store %arg8[%swap3A_194], %swap3A_197 {strides = array<i32>} : memref<1024xf32, #tpu.memory_space<vmem>>, vector<16xf32>,
      %swap3A_198 = arith.constant 576 : index
      %swap3A_199 = tpu.vector_load %arg8[%swap3A_198] {strides = array<i32>} : memref<1024xf32, #tpu.memory_space<vmem>>, vector<16xf32>,
      %swap3A_200 = vector.shape_cast %swap3A_199 : vector<16xf32> to vector<16xf32>
      %swap3A_201 = vector.shape_cast %broadcast_in_dim3A_53 : vector<16xf32> to vector<16xf32>
      tpu.vector_store %arg8[%swap3A_198], %swap3A_201 {strides = array<i32>} : memref<1024xf32, #tpu.memory_space<vmem>>, vector<16xf32>,
      %swap3A_202 = arith.constant 592 : index
      %swap3A_203 = tpu.vector_load %arg8[%swap3A_202] {strides = array<i32>} : memref<1024xf32, #tpu.memory_space<vmem>>, vector<16xf32>,
      %swap3A_204 = vector.shape_cast %swap3A_203 : vector<16xf32> to vector<16xf32>
      %swap3A_205 = vector.shape_cast %broadcast_in_dim3A_53 : vector<16xf32> to vector<16xf32>
      tpu.vector_store %arg8[%swap3A_202], %swap3A_205 {strides = array<i32>} : memref<1024xf32, #tpu.memory_space<vmem>>, vector<16xf32>,
      %swap3A_206 = arith.constant 608 : index
      %swap3A_207 = tpu.vector_load %arg8[%swap3A_206] {strides = array<i32>} : memref<1024xf32, #tpu.memory_space<vmem>>, vector<16xf32>,
      %swap3A_208 = vector.shape_cast %swap3A_207 : vector<16xf32> to vector<16xf32>
      %swap3A_209 = vector.shape_cast %broadcast_in_dim3A_53 : vector<16xf32> to vector<16xf32>
      tpu.vector_store %arg8[%swap3A_206], %swap3A_209 {strides = array<i32>} : memref<1024xf32, #tpu.memory_space<vmem>>, vector<16xf32>,
      %swap3A_210 = arith.constant 624 : index
      %swap3A_211 = tpu.vector_load %arg8[%swap3A_210] {strides = array<i32>} : memref<1024xf32, #tpu.memory_space<vmem>>, vector<16xf32>,
      %swap3A_212 = vector.shape_cast %swap3A_211 : vector<16xf32> to vector<16xf32>
      %swap3A_213 = vector.shape_cast %broadcast_in_dim3A_53 : vector<16xf32> to vector<16xf32>
      tpu.vector_store %arg8[%swap3A_210], %swap3A_213 {strides = array<i32>} : memref<1024xf32, #tpu.memory_space<vmem>>, vector<16xf32>,
      %swap3A_214 = arith.constant 640 : index
      %swap3A_215 = tpu.vector_load %arg8[%swap3A_214] {strides = array<i32>} : memref<1024xf32, #tpu.memory_space<vmem>>, vector<16xf32>,
      %swap3A_216 = vector.shape_cast %swap3A_215 : vector<16xf32> to vector<16xf32>
      %swap3A_217 = vector.shape_cast %broadcast_in_dim3A_53 : vector<16xf32> to vector<16xf32>
      tpu.vector_store %arg8[%swap3A_214], %swap3A_217 {strides = array<i32>} : memref<1024xf32, #tpu.memory_space<vmem>>, vector<16xf32>,
      %swap3A_218 = arith.constant 656 : index
      %swap3A_219 = tpu.vector_load %arg8[%swap3A_218] {strides = array<i32>} : memref<1024xf32, #tpu.memory_space<vmem>>, vector<16xf32>,
      %swap3A_220 = vector.shape_cast %swap3A_219 : vector<16xf32> to vector<16xf32>
      %swap3A_221 = vector.shape_cast %broadcast_in_dim3A_53 : vector<16xf32> to vector<16xf32>
      tpu.vector_store %arg8[%swap3A_218], %swap3A_221 {strides = array<i32>} : memref<1024xf32, #tpu.memory_space<vmem>>, vector<16xf32>,
      %swap3A_222 = arith.constant 672 : index
      %swap3A_223 = tpu.vector_load %arg8[%swap3A_222] {strides = array<i32>} : memref<1024xf32, #tpu.memory_space<vmem>>, vector<16xf32>,
      %swap3A_224 = vector.shape_cast %swap3A_223 : vector<16xf32> to vector<16xf32>
      %swap3A_225 = vector.shape_cast %broadcast_in_dim3A_53 : vector<16xf32> to vector<16xf32>
      tpu.vector_store %arg8[%swap3A_222], %swap3A_225 {strides = array<i32>} : memref<1024xf32, #tpu.memory_space<vmem>>, vector<16xf32>,
      %swap3A_226 = arith.constant 688 : index
      %swap3A_227 = tpu.vector_load %arg8[%swap3A_226] {strides = array<i32>} : memref<1024xf32, #tpu.memory_space<vmem>>, vector<16xf32>,
      %swap3A_228 = vector.shape_cast %swap3A_227 : vector<16xf32> to vector<16xf32>
      %swap3A_229 = vector.shape_cast %broadcast_in_dim3A_53 : vector<16xf32> to vector<16xf32>
      tpu.vector_store %arg8[%swap3A_226], %swap3A_229 {strides = array<i32>} : memref<1024xf32, #tpu.memory_space<vmem>>, vector<16xf32>,
      %swap3A_230 = arith.constant 704 : index
      %swap3A_231 = tpu.vector_load %arg8[%swap3A_230] {strides = array<i32>} : memref<1024xf32, #tpu.memory_space<vmem>>, vector<16xf32>,
      %swap3A_232 = vector.shape_cast %swap3A_231 : vector<16xf32> to vector<16xf32>
      %swap3A_233 = vector.shape_cast %broadcast_in_dim3A_53 : vector<16xf32> to vector<16xf32>
      tpu.vector_store %arg8[%swap3A_230], %swap3A_233 {strides = array<i32>} : memref<1024xf32, #tpu.memory_space<vmem>>, vector<16xf32>,
      %swap3A_234 = arith.constant 720 : index
      %swap3A_235 = tpu.vector_load %arg8[%swap3A_234] {strides = array<i32>} : memref<1024xf32, #tpu.memory_space<vmem>>, vector<16xf32>,
      %swap3A_236 = vector.shape_cast %swap3A_235 : vector<16xf32> to vector<16xf32>
      %swap3A_237 = vector.shape_cast %broadcast_in_dim3A_53 : vector<16xf32> to vector<16xf32>
      tpu.vector_store %arg8[%swap3A_234], %swap3A_237 {strides = array<i32>} : memref<1024xf32, #tpu.memory_space<vmem>>, vector<16xf32>,
      %swap3A_238 = arith.constant 736 : index
      %swap3A_239 = tpu.vector_load %arg8[%swap3A_238] {strides = array<i32>} : memref<1024xf32, #tpu.memory_space<vmem>>, vector<16xf32>,
      %swap3A_240 = vector.shape_cast %swap3A_239 : vector<16xf32> to vector<16xf32>
      %swap3A_241 = vector.shape_cast %broadcast_in_dim3A_53 : vector<16xf32> to vector<16xf32>
      tpu.vector_store %arg8[%swap3A_238], %swap3A_241 {strides = array<i32>} : memref<1024xf32, #tpu.memory_space<vmem>>, vector<16xf32>,
      %swap3A_242 = arith.constant 752 : index
      %swap3A_243 = tpu.vector_load %arg8[%swap3A_242] {strides = array<i32>} : memref<1024xf32, #tpu.memory_space<vmem>>, vector<16xf32>,
      %swap3A_244 = vector.shape_cast %swap3A_243 : vector<16xf32> to vector<16xf32>
      %swap3A_245 = vector.shape_cast %broadcast_in_dim3A_53 : vector<16xf32> to vector<16xf32>
      tpu.vector_store %arg8[%swap3A_242], %swap3A_245 {strides = array<i32>} : memref<1024xf32, #tpu.memory_space<vmem>>, vector<16xf32>,
      %swap3A_246 = arith.constant 768 : index
      %swap3A_247 = tpu.vector_load %arg8[%swap3A_246] {strides = array<i32>} : memref<1024xf32, #tpu.memory_space<vmem>>, vector<16xf32>,
      %swap3A_248 = vector.shape_cast %swap3A_247 : vector<16xf32> to vector<16xf32>
      %swap3A_249 = vector.shape_cast %broadcast_in_dim3A_53 : vector<16xf32> to vector<16xf32>
      tpu.vector_store %arg8[%swap3A_246], %swap3A_249 {strides = array<i32>} : memref<1024xf32, #tpu.memory_space<vmem>>, vector<16xf32>,
      %swap3A_250 = arith.constant 784 : index
      %swap3A_251 = tpu.vector_load %arg8[%swap3A_250] {strides = array<i32>} : memref<1024xf32, #tpu.memory_space<vmem>>, vector<16xf32>,
      %swap3A_252 = vector.shape_cast %swap3A_251 : vector<16xf32> to vector<16xf32>
      %swap3A_253 = vector.shape_cast %broadcast_in_dim3A_53 : vector<16xf32> to vector<16xf32>
      tpu.vector_store %arg8[%swap3A_250], %swap3A_253 {strides = array<i32>} : memref<1024xf32, #tpu.memory_space<vmem>>, vector<16xf32>,
      %swap3A_254 = arith.constant 800 : index
      %swap3A_255 = tpu.vector_load %arg8[%swap3A_254] {strides = array<i32>} : memref<1024xf32, #tpu.memory_space<vmem>>, vector<16xf32>,
      %swap3A_256 = vector.shape_cast %swap3A_255 : vector<16xf32> to vector<16xf32>
      %swap3A_257 = vector.shape_cast %broadcast_in_dim3A_53 : vector<16xf32> to vector<16xf32>
      tpu.vector_store %arg8[%swap3A_254], %swap3A_257 {strides = array<i32>} : memref<1024xf32, #tpu.memory_space<vmem>>, vector<16xf32>,
      %swap3A_258 = arith.constant 816 : index
      %swap3A_259 = tpu.vector_load %arg8[%swap3A_258] {strides = array<i32>} : memref<1024xf32, #tpu.memory_space<vmem>>, vector<16xf32>,
      %swap3A_260 = vector.shape_cast %swap3A_259 : vector<16xf32> to vector<16xf32>
      %swap3A_261 = vector.shape_cast %broadcast_in_dim3A_53 : vector<16xf32> to vector<16xf32>
      tpu.vector_store %arg8[%swap3A_258], %swap3A_261 {strides = array<i32>} : memref<1024xf32, #tpu.memory_space<vmem>>, vector<16xf32>,
      %swap3A_262 = arith.constant 832 : index
      %swap3A_263 = tpu.vector_load %arg8[%swap3A_262] {strides = array<i32>} : memref<1024xf32, #tpu.memory_space<vmem>>, vector<16xf32>,
      %swap3A_264 = vector.shape_cast %swap3A_263 : vector<16xf32> to vector<16xf32>
      %swap3A_265 = vector.shape_cast %broadcast_in_dim3A_53 : vector<16xf32> to vector<16xf32>
      tpu.vector_store %arg8[%swap3A_262], %swap3A_265 {strides = array<i32>} : memref<1024xf32, #tpu.memory_space<vmem>>, vector<16xf32>,
      %swap3A_266 = arith.constant 848 : index
      %swap3A_267 = tpu.vector_load %arg8[%swap3A_266] {strides = array<i32>} : memref<1024xf32, #tpu.memory_space<vmem>>, vector<16xf32>,
      %swap3A_268 = vector.shape_cast %swap3A_267 : vector<16xf32> to vector<16xf32>
      %swap3A_269 = vector.shape_cast %broadcast_in_dim3A_53 : vector<16xf32> to vector<16xf32>
      tpu.vector_store %arg8[%swap3A_266], %swap3A_269 {strides = array<i32>} : memref<1024xf32, #tpu.memory_space<vmem>>, vector<16xf32>,
      %swap3A_270 = arith.constant 864 : index
      %swap3A_271 = tpu.vector_load %arg8[%swap3A_270] {strides = array<i32>} : memref<1024xf32, #tpu.memory_space<vmem>>, vector<16xf32>,
      %swap3A_272 = vector.shape_cast %swap3A_271 : vector<16xf32> to vector<16xf32>
      %swap3A_273 = vector.shape_cast %broadcast_in_dim3A_53 : vector<16xf32> to vector<16xf32>
      tpu.vector_store %arg8[%swap3A_270], %swap3A_273 {strides = array<i32>} : memref<1024xf32, #tpu.memory_space<vmem>>, vector<16xf32>,
      %swap3A_274 = arith.constant 880 : index
      %swap3A_275 = tpu.vector_load %arg8[%swap3A_274] {strides = array<i32>} : memref<1024xf32, #tpu.memory_space<vmem>>, vector<16xf32>,
      %swap3A_276 = vector.shape_cast %swap3A_275 : vector<16xf32> to vector<16xf32>
      %swap3A_277 = vector.shape_cast %broadcast_in_dim3A_53 : vector<16xf32> to vector<16xf32>
      tpu.vector_store %arg8[%swap3A_274], %swap3A_277 {strides = array<i32>} : memref<1024xf32, #tpu.memory_space<vmem>>, vector<16xf32>,
      %swap3A_278 = arith.constant 896 : index
      %swap3A_279 = tpu.vector_load %arg8[%swap3A_278] {strides = array<i32>} : memref<1024xf32, #tpu.memory_space<vmem>>, vector<16xf32>,
      %swap3A_280 = vector.shape_cast %swap3A_279 : vector<16xf32> to vector<16xf32>
      %swap3A_281 = vector.shape_cast %broadcast_in_dim3A_53 : vector<16xf32> to vector<16xf32>
      tpu.vector_store %arg8[%swap3A_278], %swap3A_281 {strides = array<i32>} : memref<1024xf32, #tpu.memory_space<vmem>>, vector<16xf32>,
      %swap3A_282 = arith.constant 912 : index
      %swap3A_283 = tpu.vector_load %arg8[%swap3A_282] {strides = array<i32>} : memref<1024xf32, #tpu.memory_space<vmem>>, vector<16xf32>,
      %swap3A_284 = vector.shape_cast %swap3A_283 : vector<16xf32> to vector<16xf32>
      %swap3A_285 = vector.shape_cast %broadcast_in_dim3A_53 : vector<16xf32> to vector<16xf32>
      tpu.vector_store %arg8[%swap3A_282], %swap3A_285 {strides = array<i32>} : memref<1024xf32, #tpu.memory_space<vmem>>, vector<16xf32>,
      %swap3A_286 = arith.constant 928 : index
      %swap3A_287 = tpu.vector_load %arg8[%swap3A_286] {strides = array<i32>} : memref<1024xf32, #tpu.memory_space<vmem>>, vector<16xf32>,
      %swap3A_288 = vector.shape_cast %swap3A_287 : vector<16xf32> to vector<16xf32>
      %swap3A_289 = vector.shape_cast %broadcast_in_dim3A_53 : vector<16xf32> to vector<16xf32>
      tpu.vector_store %arg8[%swap3A_286], %swap3A_289 {strides = array<i32>} : memref<1024xf32, #tpu.memory_space<vmem>>, vector<16xf32>,
      %swap3A_290 = arith.constant 944 : index
      %swap3A_291 = tpu.vector_load %arg8[%swap3A_290] {strides = array<i32>} : memref<1024xf32, #tpu.memory_space<vmem>>, vector<16xf32>,
      %swap3A_292 = vector.shape_cast %swap3A_291 : vector<16xf32> to vector<16xf32>
      %swap3A_293 = vector.shape_cast %broadcast_in_dim3A_53 : vector<16xf32> to vector<16xf32>
      tpu.vector_store %arg8[%swap3A_290], %swap3A_293 {strides = array<i32>} : memref<1024xf32, #tpu.memory_space<vmem>>, vector<16xf32>,
      %swap3A_294 = arith.constant 960 : index
      %swap3A_295 = tpu.vector_load %arg8[%swap3A_294] {strides = array<i32>} : memref<1024xf32, #tpu.memory_space<vmem>>, vector<16xf32>,
      %swap3A_296 = vector.shape_cast %swap3A_295 : vector<16xf32> to vector<16xf32>
      %swap3A_297 = vector.shape_cast %broadcast_in_dim3A_53 : vector<16xf32> to vector<16xf32>
      tpu.vector_store %arg8[%swap3A_294], %swap3A_297 {strides = array<i32>} : memref<1024xf32, #tpu.memory_space<vmem>>, vector<16xf32>,
      %swap3A_298 = arith.constant 976 : index
      %swap3A_299 = tpu.vector_load %arg8[%swap3A_298] {strides = array<i32>} : memref<1024xf32, #tpu.memory_space<vmem>>, vector<16xf32>,
      %swap3A_300 = vector.shape_cast %swap3A_299 : vector<16xf32> to vector<16xf32>
      %swap3A_301 = vector.shape_cast %broadcast_in_dim3A_53 : vector<16xf32> to vector<16xf32>
      tpu.vector_store %arg8[%swap3A_298], %swap3A_301 {strides = array<i32>} : memref<1024xf32, #tpu.memory_space<vmem>>, vector<16xf32>,
      %swap3A_302 = arith.constant 992 : index
      %swap3A_303 = tpu.vector_load %arg8[%swap3A_302] {strides = array<i32>} : memref<1024xf32, #tpu.memory_space<vmem>>, vector<16xf32>,
      %swap3A_304 = vector.shape_cast %swap3A_303 : vector<16xf32> to vector<16xf32>
      %swap3A_305 = vector.shape_cast %broadcast_in_dim3A_53 : vector<16xf32> to vector<16xf32>
      tpu.vector_store %arg8[%swap3A_302], %swap3A_305 {strides = array<i32>} : memref<1024xf32, #tpu.memory_space<vmem>>, vector<16xf32>,
      %swap3A_306 = arith.constant 1008 : index
      %swap3A_307 = tpu.vector_load %arg8[%swap3A_306] {strides = array<i32>} : memref<1024xf32, #tpu.memory_space<vmem>>, vector<16xf32>,
      %swap3A_308 = vector.shape_cast %swap3A_307 : vector<16xf32> to vector<16xf32>
      %swap3A_309 = vector.shape_cast %broadcast_in_dim3A_53 : vector<16xf32> to vector<16xf32>
      tpu.vector_store %arg8[%swap3A_306], %swap3A_309 {strides = array<i32>} : memref<1024xf32, #tpu.memory_space<vmem>>, vector<16xf32>,
      "tpu.region"() ({
        %run_scoped3A_310 = tpu.sem_alloc : memref<!tpu.dma_semaphore, #tpu.memory_space<semaphore_mem>>
        tpu.enqueue_dma source(%arg8 : memref<1024xf32, #tpu.memory_space<vmem>>) target(%arg9 : memref<1024xf32, #tpu.memory_space<vmem_shared>>) target_semaphore(%run_scoped3A_310 : memref<!tpu.dma_semaphore, #tpu.memory_space<semaphore_mem>>)
        tpu.wait_dma2 semaphore(%run_scoped3A_310 : memref<!tpu.dma_semaphore, #tpu.memory_space<semaphore_mem>>) src(%arg8 : memref<1024xf32, #tpu.memory_space<vmem>>) dst(%arg9 : memref<1024xf32, #tpu.memory_space<vmem_shared>>)
        tpu.yield
      }) : () -> ()
      "tpu.region"() ({
        %run_scoped3A_310 = tpu.sem_alloc : memref<!tpu.dma_semaphore, #tpu.memory_space<semaphore_mem>>
        tpu.enqueue_dma source(%arg8 : memref<1024xf32, #tpu.memory_space<vmem>>) target(%arg10 : memref<1024xf32, #tpu.memory_space<vmem_shared>>) target_semaphore(%run_scoped3A_310 : memref<!tpu.dma_semaphore, #tpu.memory_space<semaphore_mem>>)
        tpu.wait_dma2 semaphore(%run_scoped3A_310 : memref<!tpu.dma_semaphore, #tpu.memory_space<semaphore_mem>>) src(%arg8 : memref<1024xf32, #tpu.memory_space<vmem>>) dst(%arg10 : memref<1024xf32, #tpu.memory_space<vmem_shared>>)
        tpu.yield
      }) : () -> ()
    } else {
    }
    "tpu.region"() ({
      %run_scoped3A_52 = tpu.sem_alloc : memref<!tpu.dma_semaphore, #tpu.memory_space<semaphore_mem>>
      %dma_start3A = arith.constant 0 : i32
      %dma_start3A_53 = arith.constant 0 : i32
      %dma_start3A_54 = tpu.memref_slice %arg3[%add3A, %dma_start3A, %dma_start3A_53] : memref<32x4x128xi32, #tpu.memory_space<hbm>> -> memref<1x4x128xi32, #tpu.memory_space<hbm>>
      %dma_start3A_55 = tpu.memref_squeeze %dma_start3A_54 : memref<1x4x128xi32, #tpu.memory_space<hbm>> -> memref<4x128xi32, #tpu.memory_space<hbm>>
      %dma_start3A_56 = arith.constant 0 : i32
      %dma_start3A_57 = arith.constant 0 : i32
      %dma_start3A_58 = tpu.memref_slice %arg3[%add3A, %dma_start3A_56, %dma_start3A_57] : memref<32x4x128xi32, #tpu.memory_space<hbm>> -> memref<1x4x128xi32, #tpu.memory_space<hbm>>
      %dma_start3A_59 = tpu.memref_squeeze %dma_start3A_58 : memref<1x4x128xi32, #tpu.memory_space<hbm>> -> memref<4x128xi32, #tpu.memory_space<hbm>>
      tpu.enqueue_dma source(%dma_start3A_59 : memref<4x128xi32, #tpu.memory_space<hbm>>) target(%arg5 : memref<4x128xi32, #tpu.memory_space<vmem>>) target_semaphore(%run_scoped3A_52 : memref<!tpu.dma_semaphore, #tpu.memory_space<semaphore_mem>>)
      %dma_wait3A = arith.constant 0 : i32
      %dma_wait3A_60 = arith.constant 0 : i32
      %dma_wait3A_61 = tpu.memref_slice %arg3[%add3A, %dma_wait3A, %dma_wait3A_60] : memref<32x4x128xi32, #tpu.memory_space<hbm>> -> memref<1x4x128xi32, #tpu.memory_space<hbm>>
      %dma_wait3A_62 = tpu.memref_squeeze %dma_wait3A_61 : memref<1x4x128xi32, #tpu.memory_space<hbm>> -> memref<4x128xi32, #tpu.memory_space<hbm>>
      %dma_wait3A_63 = arith.constant 0 : i32
      %dma_wait3A_64 = arith.constant 0 : i32
      %dma_wait3A_65 = tpu.memref_slice %arg3[%add3A, %dma_wait3A_63, %dma_wait3A_64] : memref<32x4x128xi32, #tpu.memory_space<hbm>> -> memref<1x4x128xi32, #tpu.memory_space<hbm>>
      %dma_wait3A_66 = tpu.memref_squeeze %dma_wait3A_65 : memref<1x4x128xi32, #tpu.memory_space<hbm>> -> memref<4x128xi32, #tpu.memory_space<hbm>>
      tpu.wait_dma2 semaphore(%run_scoped3A_52 : memref<!tpu.dma_semaphore, #tpu.memory_space<semaphore_mem>>) src(%dma_wait3A_66 : memref<4x128xi32, #tpu.memory_space<hbm>>) dst(%arg5 : memref<4x128xi32, #tpu.memory_space<vmem>>)
      tpu.yield
    }) : () -> ()
    "tpu.region"() ({
      %run_scoped3A_52 = tpu.sem_alloc : memref<!tpu.dma_semaphore, #tpu.memory_space<semaphore_mem>>
      %dma_start3A = arith.constant 0 : i32
      %dma_start3A_53 = arith.constant 0 : i32
      %dma_start3A_54 = tpu.memref_slice %arg2[%add3A, %dma_start3A, %dma_start3A_53] : memref<32x4x128xf32, #tpu.memory_space<hbm>> -> memref<1x4x128xf32, #tpu.memory_space<hbm>>
      %dma_start3A_55 = tpu.memref_squeeze %dma_start3A_54 : memref<1x4x128xf32, #tpu.memory_space<hbm>> -> memref<4x128xf32, #tpu.memory_space<hbm>>
      %dma_start3A_56 = arith.constant 0 : i32
      %dma_start3A_57 = arith.constant 0 : i32
      %dma_start3A_58 = tpu.memref_slice %arg2[%add3A, %dma_start3A_56, %dma_start3A_57] : memref<32x4x128xf32, #tpu.memory_space<hbm>> -> memref<1x4x128xf32, #tpu.memory_space<hbm>>
      %dma_start3A_59 = tpu.memref_squeeze %dma_start3A_58 : memref<1x4x128xf32, #tpu.memory_space<hbm>> -> memref<4x128xf32, #tpu.memory_space<hbm>>
      tpu.enqueue_dma source(%dma_start3A_59 : memref<4x128xf32, #tpu.memory_space<hbm>>) target(%arg6 : memref<4x128xf32, #tpu.memory_space<vmem>>) target_semaphore(%run_scoped3A_52 : memref<!tpu.dma_semaphore, #tpu.memory_space<semaphore_mem>>)
      %dma_wait3A = arith.constant 0 : i32
      %dma_wait3A_60 = arith.constant 0 : i32
      %dma_wait3A_61 = tpu.memref_slice %arg2[%add3A, %dma_wait3A, %dma_wait3A_60] : memref<32x4x128xf32, #tpu.memory_space<hbm>> -> memref<1x4x128xf32, #tpu.memory_space<hbm>>
      %dma_wait3A_62 = tpu.memref_squeeze %dma_wait3A_61 : memref<1x4x128xf32, #tpu.memory_space<hbm>> -> memref<4x128xf32, #tpu.memory_space<hbm>>
      %dma_wait3A_63 = arith.constant 0 : i32
      %dma_wait3A_64 = arith.constant 0 : i32
      %dma_wait3A_65 = tpu.memref_slice %arg2[%add3A, %dma_wait3A_63, %dma_wait3A_64] : memref<32x4x128xf32, #tpu.memory_space<hbm>> -> memref<1x4x128xf32, #tpu.memory_space<hbm>>
      %dma_wait3A_66 = tpu.memref_squeeze %dma_wait3A_65 : memref<1x4x128xf32, #tpu.memory_space<hbm>> -> memref<4x128xf32, #tpu.memory_space<hbm>>
      tpu.wait_dma2 semaphore(%run_scoped3A_52 : memref<!tpu.dma_semaphore, #tpu.memory_space<semaphore_mem>>) src(%dma_wait3A_66 : memref<4x128xf32, #tpu.memory_space<hbm>>) dst(%arg6 : memref<4x128xf32, #tpu.memory_space<vmem>>)
      tpu.yield
    }) : () -> ()
    %barrier3A = arith.constant 0 : index
    tpu.barrier barrier_id(%barrier3A)
    %run_scoped3A = arith.constant 0 : i32
    %run_scoped3A_35 = arith.constant 0 : i32
    "tpu.region"() ({
      %run_scoped3A_52 = tpu.sem_alloc : memref<!tpu.dma_semaphore, #tpu.memory_space<semaphore_mem>>
      %dma_start3A = arith.constant 0 : i32
      %dma_start3A_53 = tpu.memref_slice %arg6[%run_scoped3A, %dma_start3A] : memref<4x128xf32, #tpu.memory_space<vmem>> -> memref<1x128xf32, #tpu.memory_space<vmem>>
      %dma_start3A_54 = tpu.memref_squeeze %dma_start3A_53 : memref<1x128xf32, #tpu.memory_space<vmem>> -> memref<128xf32, #tpu.memory_space<vmem>>
      %dma_start3A_55 = arith.constant 0 : i32
      %dma_start3A_56 = tpu.memref_slice %arg5[%run_scoped3A_35, %dma_start3A_55] : memref<4x128xi32, #tpu.memory_space<vmem>> -> memref<1x128xi32, #tpu.memory_space<vmem>>
      %dma_start3A_57 = tpu.memref_squeeze %dma_start3A_56 : memref<1x128xi32, #tpu.memory_space<vmem>> -> memref<128xi32, #tpu.memory_space<vmem>>
      %dma_start3A_58 = arith.constant 0 : i32
      %dma_start3A_59 = tpu.memref_slice %arg9[%dma_start3A_58] : memref<1024xf32, #tpu.memory_space<vmem_shared>> -> memref<1024xf32, #tpu.memory_space<vmem_shared>>
      tpu.enqueue_indirect_dma source(%dma_start3A_54 : memref<128xf32, #tpu.memory_space<vmem>>) target(%dma_start3A_59 : memref<1024xf32, #tpu.memory_space<vmem_shared>>) offsets(%dma_start3A_57 : memref<128xi32, #tpu.memory_space<vmem>>) semaphore(%run_scoped3A_52 : memref<!tpu.dma_semaphore, #tpu.memory_space<semaphore_mem>>) {add = true}
      %dma_wait3A = arith.constant 0 : i32
      %dma_wait3A_60 = tpu.memref_slice %arg6[%run_scoped3A, %dma_wait3A] : memref<4x128xf32, #tpu.memory_space<vmem>> -> memref<1x128xf32, #tpu.memory_space<vmem>>
      %dma_wait3A_61 = tpu.memref_squeeze %dma_wait3A_60 : memref<1x128xf32, #tpu.memory_space<vmem>> -> memref<128xf32, #tpu.memory_space<vmem>>
      %dma_wait3A_62 = arith.constant 0 : i32
      %dma_wait3A_63 = tpu.memref_slice %arg5[%run_scoped3A_35, %dma_wait3A_62] : memref<4x128xi32, #tpu.memory_space<vmem>> -> memref<1x128xi32, #tpu.memory_space<vmem>>
      %dma_wait3A_64 = tpu.memref_squeeze %dma_wait3A_63 : memref<1x128xi32, #tpu.memory_space<vmem>> -> memref<128xi32, #tpu.memory_space<vmem>>
      %dma_wait3A_65 = arith.constant 0 : i32
      %dma_wait3A_66 = tpu.memref_slice %arg9[%dma_wait3A_65] : memref<1024xf32, #tpu.memory_space<vmem_shared>> -> memref<1024xf32, #tpu.memory_space<vmem_shared>>
      tpu.wait_indirect_dma semaphore(%run_scoped3A_52 : memref<!tpu.dma_semaphore, #tpu.memory_space<semaphore_mem>>) src(%dma_wait3A_61 : memref<128xf32, #tpu.memory_space<vmem>>) dst(%dma_wait3A_66 : memref<1024xf32, #tpu.memory_space<vmem_shared>>)
      tpu.yield
    }) : () -> ()
    %run_scoped3A_36 = arith.constant 0 : i32
    "tpu.region"() ({
      %run_scoped3A_52 = tpu.sem_alloc : memref<!tpu.dma_semaphore, #tpu.memory_space<semaphore_mem>>
      %dma_start3A = arith.constant 0 : i32
      %dma_start3A_53 = tpu.memref_slice %arg5[%run_scoped3A_36, %dma_start3A] : memref<4x128xi32, #tpu.memory_space<vmem>> -> memref<1x128xi32, #tpu.memory_space<vmem>>
      %dma_start3A_54 = tpu.memref_squeeze %dma_start3A_53 : memref<1x128xi32, #tpu.memory_space<vmem>> -> memref<128xi32, #tpu.memory_space<vmem>>
      %dma_start3A_55 = arith.constant 0 : i32
      %dma_start3A_56 = tpu.memref_slice %arg10[%dma_start3A_55] : memref<1024xf32, #tpu.memory_space<vmem_shared>> -> memref<1024xf32, #tpu.memory_space<vmem_shared>>
      tpu.enqueue_indirect_dma source(%arg7 : memref<128xf32, #tpu.memory_space<vmem>>) target(%dma_start3A_56 : memref<1024xf32, #tpu.memory_space<vmem_shared>>) offsets(%dma_start3A_54 : memref<128xi32, #tpu.memory_space<vmem>>) semaphore(%run_scoped3A_52 : memref<!tpu.dma_semaphore, #tpu.memory_space<semaphore_mem>>) {add = true}
      %dma_wait3A = arith.constant 0 : i32
      %dma_wait3A_57 = tpu.memref_slice %arg5[%run_scoped3A_36, %dma_wait3A] : memref<4x128xi32, #tpu.memory_space<vmem>> -> memref<1x128xi32, #tpu.memory_space<vmem>>
      %dma_wait3A_58 = tpu.memref_squeeze %dma_wait3A_57 : memref<1x128xi32, #tpu.memory_space<vmem>> -> memref<128xi32, #tpu.memory_space<vmem>>
      %dma_wait3A_59 = arith.constant 0 : i32
      %dma_wait3A_60 = tpu.memref_slice %arg10[%dma_wait3A_59] : memref<1024xf32, #tpu.memory_space<vmem_shared>> -> memref<1024xf32, #tpu.memory_space<vmem_shared>>
      tpu.wait_indirect_dma semaphore(%run_scoped3A_52 : memref<!tpu.dma_semaphore, #tpu.memory_space<semaphore_mem>>) src(%arg7 : memref<128xf32, #tpu.memory_space<vmem>>) dst(%dma_wait3A_60 : memref<1024xf32, #tpu.memory_space<vmem_shared>>)
      tpu.yield
    }) : () -> ()
    %run_scoped3A_37 = arith.constant 1 : i32
    %run_scoped3A_38 = arith.constant 1 : i32
    "tpu.region"() ({
      %run_scoped3A_52 = tpu.sem_alloc : memref<!tpu.dma_semaphore, #tpu.memory_space<semaphore_mem>>
      %dma_start3A = arith.constant 0 : i32
      %dma_start3A_53 = tpu.memref_slice %arg6[%run_scoped3A_37, %dma_start3A] : memref<4x128xf32, #tpu.memory_space<vmem>> -> memref<1x128xf32, #tpu.memory_space<vmem>>
      %dma_start3A_54 = tpu.memref_squeeze %dma_start3A_53 : memref<1x128xf32, #tpu.memory_space<vmem>> -> memref<128xf32, #tpu.memory_space<vmem>>
      %dma_start3A_55 = arith.constant 0 : i32
      %dma_start3A_56 = tpu.memref_slice %arg5[%run_scoped3A_38, %dma_start3A_55] : memref<4x128xi32, #tpu.memory_space<vmem>> -> memref<1x128xi32, #tpu.memory_space<vmem>>
      %dma_start3A_57 = tpu.memref_squeeze %dma_start3A_56 : memref<1x128xi32, #tpu.memory_space<vmem>> -> memref<128xi32, #tpu.memory_space<vmem>>
      %dma_start3A_58 = arith.constant 0 : i32
      %dma_start3A_59 = tpu.memref_slice %arg9[%dma_start3A_58] : memref<1024xf32, #tpu.memory_space<vmem_shared>> -> memref<1024xf32, #tpu.memory_space<vmem_shared>>
      tpu.enqueue_indirect_dma source(%dma_start3A_54 : memref<128xf32, #tpu.memory_space<vmem>>) target(%dma_start3A_59 : memref<1024xf32, #tpu.memory_space<vmem_shared>>) offsets(%dma_start3A_57 : memref<128xi32, #tpu.memory_space<vmem>>) semaphore(%run_scoped3A_52 : memref<!tpu.dma_semaphore, #tpu.memory_space<semaphore_mem>>) {add = true}
      %dma_wait3A = arith.constant 0 : i32
      %dma_wait3A_60 = tpu.memref_slice %arg6[%run_scoped3A_37, %dma_wait3A] : memref<4x128xf32, #tpu.memory_space<vmem>> -> memref<1x128xf32, #tpu.memory_space<vmem>>
      %dma_wait3A_61 = tpu.memref_squeeze %dma_wait3A_60 : memref<1x128xf32, #tpu.memory_space<vmem>> -> memref<128xf32, #tpu.memory_space<vmem>>
      %dma_wait3A_62 = arith.constant 0 : i32
      %dma_wait3A_63 = tpu.memref_slice %arg5[%run_scoped3A_38, %dma_wait3A_62] : memref<4x128xi32, #tpu.memory_space<vmem>> -> memref<1x128xi32, #tpu.memory_space<vmem>>
      %dma_wait3A_64 = tpu.memref_squeeze %dma_wait3A_63 : memref<1x128xi32, #tpu.memory_space<vmem>> -> memref<128xi32, #tpu.memory_space<vmem>>
      %dma_wait3A_65 = arith.constant 0 : i32
      %dma_wait3A_66 = tpu.memref_slice %arg9[%dma_wait3A_65] : memref<1024xf32, #tpu.memory_space<vmem_shared>> -> memref<1024xf32, #tpu.memory_space<vmem_shared>>
      tpu.wait_indirect_dma semaphore(%run_scoped3A_52 : memref<!tpu.dma_semaphore, #tpu.memory_space<semaphore_mem>>) src(%dma_wait3A_61 : memref<128xf32, #tpu.memory_space<vmem>>) dst(%dma_wait3A_66 : memref<1024xf32, #tpu.memory_space<vmem_shared>>)
      tpu.yield
    }) : () -> ()
    %run_scoped3A_39 = arith.constant 1 : i32
    "tpu.region"() ({
      %run_scoped3A_52 = tpu.sem_alloc : memref<!tpu.dma_semaphore, #tpu.memory_space<semaphore_mem>>
      %dma_start3A = arith.constant 0 : i32
      %dma_start3A_53 = tpu.memref_slice %arg5[%run_scoped3A_39, %dma_start3A] : memref<4x128xi32, #tpu.memory_space<vmem>> -> memref<1x128xi32, #tpu.memory_space<vmem>>
      %dma_start3A_54 = tpu.memref_squeeze %dma_start3A_53 : memref<1x128xi32, #tpu.memory_space<vmem>> -> memref<128xi32, #tpu.memory_space<vmem>>
      %dma_start3A_55 = arith.constant 0 : i32
      %dma_start3A_56 = tpu.memref_slice %arg10[%dma_start3A_55] : memref<1024xf32, #tpu.memory_space<vmem_shared>> -> memref<1024xf32, #tpu.memory_space<vmem_shared>>
      tpu.enqueue_indirect_dma source(%arg7 : memref<128xf32, #tpu.memory_space<vmem>>) target(%dma_start3A_56 : memref<1024xf32, #tpu.memory_space<vmem_shared>>) offsets(%dma_start3A_54 : memref<128xi32, #tpu.memory_space<vmem>>) semaphore(%run_scoped3A_52 : memref<!tpu.dma_semaphore, #tpu.memory_space<semaphore_mem>>) {add = true}
      %dma_wait3A = arith.constant 0 : i32
      %dma_wait3A_57 = tpu.memref_slice %arg5[%run_scoped3A_39, %dma_wait3A] : memref<4x128xi32, #tpu.memory_space<vmem>> -> memref<1x128xi32, #tpu.memory_space<vmem>>
      %dma_wait3A_58 = tpu.memref_squeeze %dma_wait3A_57 : memref<1x128xi32, #tpu.memory_space<vmem>> -> memref<128xi32, #tpu.memory_space<vmem>>
      %dma_wait3A_59 = arith.constant 0 : i32
      %dma_wait3A_60 = tpu.memref_slice %arg10[%dma_wait3A_59] : memref<1024xf32, #tpu.memory_space<vmem_shared>> -> memref<1024xf32, #tpu.memory_space<vmem_shared>>
      tpu.wait_indirect_dma semaphore(%run_scoped3A_52 : memref<!tpu.dma_semaphore, #tpu.memory_space<semaphore_mem>>) src(%arg7 : memref<128xf32, #tpu.memory_space<vmem>>) dst(%dma_wait3A_60 : memref<1024xf32, #tpu.memory_space<vmem_shared>>)
      tpu.yield
    }) : () -> ()
    %run_scoped3A_40 = arith.constant 2 : i32
    %run_scoped3A_41 = arith.constant 2 : i32
    "tpu.region"() ({
      %run_scoped3A_52 = tpu.sem_alloc : memref<!tpu.dma_semaphore, #tpu.memory_space<semaphore_mem>>
      %dma_start3A = arith.constant 0 : i32
      %dma_start3A_53 = tpu.memref_slice %arg6[%run_scoped3A_40, %dma_start3A] : memref<4x128xf32, #tpu.memory_space<vmem>> -> memref<1x128xf32, #tpu.memory_space<vmem>>
      %dma_start3A_54 = tpu.memref_squeeze %dma_start3A_53 : memref<1x128xf32, #tpu.memory_space<vmem>> -> memref<128xf32, #tpu.memory_space<vmem>>
      %dma_start3A_55 = arith.constant 0 : i32
      %dma_start3A_56 = tpu.memref_slice %arg5[%run_scoped3A_41, %dma_start3A_55] : memref<4x128xi32, #tpu.memory_space<vmem>> -> memref<1x128xi32, #tpu.memory_space<vmem>>
      %dma_start3A_57 = tpu.memref_squeeze %dma_start3A_56 : memref<1x128xi32, #tpu.memory_space<vmem>> -> memref<128xi32, #tpu.memory_space<vmem>>
      %dma_start3A_58 = arith.constant 0 : i32
      %dma_start3A_59 = tpu.memref_slice %arg9[%dma_start3A_58] : memref<1024xf32, #tpu.memory_space<vmem_shared>> -> memref<1024xf32, #tpu.memory_space<vmem_shared>>
      tpu.enqueue_indirect_dma source(%dma_start3A_54 : memref<128xf32, #tpu.memory_space<vmem>>) target(%dma_start3A_59 : memref<1024xf32, #tpu.memory_space<vmem_shared>>) offsets(%dma_start3A_57 : memref<128xi32, #tpu.memory_space<vmem>>) semaphore(%run_scoped3A_52 : memref<!tpu.dma_semaphore, #tpu.memory_space<semaphore_mem>>) {add = true}
      %dma_wait3A = arith.constant 0 : i32
      %dma_wait3A_60 = tpu.memref_slice %arg6[%run_scoped3A_40, %dma_wait3A] : memref<4x128xf32, #tpu.memory_space<vmem>> -> memref<1x128xf32, #tpu.memory_space<vmem>>
      %dma_wait3A_61 = tpu.memref_squeeze %dma_wait3A_60 : memref<1x128xf32, #tpu.memory_space<vmem>> -> memref<128xf32, #tpu.memory_space<vmem>>
      %dma_wait3A_62 = arith.constant 0 : i32
      %dma_wait3A_63 = tpu.memref_slice %arg5[%run_scoped3A_41, %dma_wait3A_62] : memref<4x128xi32, #tpu.memory_space<vmem>> -> memref<1x128xi32, #tpu.memory_space<vmem>>
      %dma_wait3A_64 = tpu.memref_squeeze %dma_wait3A_63 : memref<1x128xi32, #tpu.memory_space<vmem>> -> memref<128xi32, #tpu.memory_space<vmem>>
      %dma_wait3A_65 = arith.constant 0 : i32
      %dma_wait3A_66 = tpu.memref_slice %arg9[%dma_wait3A_65] : memref<1024xf32, #tpu.memory_space<vmem_shared>> -> memref<1024xf32, #tpu.memory_space<vmem_shared>>
      tpu.wait_indirect_dma semaphore(%run_scoped3A_52 : memref<!tpu.dma_semaphore, #tpu.memory_space<semaphore_mem>>) src(%dma_wait3A_61 : memref<128xf32, #tpu.memory_space<vmem>>) dst(%dma_wait3A_66 : memref<1024xf32, #tpu.memory_space<vmem_shared>>)
      tpu.yield
    }) : () -> ()
    %run_scoped3A_42 = arith.constant 2 : i32
    "tpu.region"() ({
      %run_scoped3A_52 = tpu.sem_alloc : memref<!tpu.dma_semaphore, #tpu.memory_space<semaphore_mem>>
      %dma_start3A = arith.constant 0 : i32
      %dma_start3A_53 = tpu.memref_slice %arg5[%run_scoped3A_42, %dma_start3A] : memref<4x128xi32, #tpu.memory_space<vmem>> -> memref<1x128xi32, #tpu.memory_space<vmem>>
      %dma_start3A_54 = tpu.memref_squeeze %dma_start3A_53 : memref<1x128xi32, #tpu.memory_space<vmem>> -> memref<128xi32, #tpu.memory_space<vmem>>
      %dma_start3A_55 = arith.constant 0 : i32
      %dma_start3A_56 = tpu.memref_slice %arg10[%dma_start3A_55] : memref<1024xf32, #tpu.memory_space<vmem_shared>> -> memref<1024xf32, #tpu.memory_space<vmem_shared>>
      tpu.enqueue_indirect_dma source(%arg7 : memref<128xf32, #tpu.memory_space<vmem>>) target(%dma_start3A_56 : memref<1024xf32, #tpu.memory_space<vmem_shared>>) offsets(%dma_start3A_54 : memref<128xi32, #tpu.memory_space<vmem>>) semaphore(%run_scoped3A_52 : memref<!tpu.dma_semaphore, #tpu.memory_space<semaphore_mem>>) {add = true}
      %dma_wait3A = arith.constant 0 : i32
      %dma_wait3A_57 = tpu.memref_slice %arg5[%run_scoped3A_42, %dma_wait3A] : memref<4x128xi32, #tpu.memory_space<vmem>> -> memref<1x128xi32, #tpu.memory_space<vmem>>
      %dma_wait3A_58 = tpu.memref_squeeze %dma_wait3A_57 : memref<1x128xi32, #tpu.memory_space<vmem>> -> memref<128xi32, #tpu.memory_space<vmem>>
      %dma_wait3A_59 = arith.constant 0 : i32
      %dma_wait3A_60 = tpu.memref_slice %arg10[%dma_wait3A_59] : memref<1024xf32, #tpu.memory_space<vmem_shared>> -> memref<1024xf32, #tpu.memory_space<vmem_shared>>
      tpu.wait_indirect_dma semaphore(%run_scoped3A_52 : memref<!tpu.dma_semaphore, #tpu.memory_space<semaphore_mem>>) src(%arg7 : memref<128xf32, #tpu.memory_space<vmem>>) dst(%dma_wait3A_60 : memref<1024xf32, #tpu.memory_space<vmem_shared>>)
      tpu.yield
    }) : () -> ()
    %run_scoped3A_43 = arith.constant 3 : i32
    %run_scoped3A_44 = arith.constant 3 : i32
    "tpu.region"() ({
      %run_scoped3A_52 = tpu.sem_alloc : memref<!tpu.dma_semaphore, #tpu.memory_space<semaphore_mem>>
      %dma_start3A = arith.constant 0 : i32
      %dma_start3A_53 = tpu.memref_slice %arg6[%run_scoped3A_43, %dma_start3A] : memref<4x128xf32, #tpu.memory_space<vmem>> -> memref<1x128xf32, #tpu.memory_space<vmem>>
      %dma_start3A_54 = tpu.memref_squeeze %dma_start3A_53 : memref<1x128xf32, #tpu.memory_space<vmem>> -> memref<128xf32, #tpu.memory_space<vmem>>
      %dma_start3A_55 = arith.constant 0 : i32
      %dma_start3A_56 = tpu.memref_slice %arg5[%run_scoped3A_44, %dma_start3A_55] : memref<4x128xi32, #tpu.memory_space<vmem>> -> memref<1x128xi32, #tpu.memory_space<vmem>>
      %dma_start3A_57 = tpu.memref_squeeze %dma_start3A_56 : memref<1x128xi32, #tpu.memory_space<vmem>> -> memref<128xi32, #tpu.memory_space<vmem>>
      %dma_start3A_58 = arith.constant 0 : i32
      %dma_start3A_59 = tpu.memref_slice %arg9[%dma_start3A_58] : memref<1024xf32, #tpu.memory_space<vmem_shared>> -> memref<1024xf32, #tpu.memory_space<vmem_shared>>
      tpu.enqueue_indirect_dma source(%dma_start3A_54 : memref<128xf32, #tpu.memory_space<vmem>>) target(%dma_start3A_59 : memref<1024xf32, #tpu.memory_space<vmem_shared>>) offsets(%dma_start3A_57 : memref<128xi32, #tpu.memory_space<vmem>>) semaphore(%run_scoped3A_52 : memref<!tpu.dma_semaphore, #tpu.memory_space<semaphore_mem>>) {add = true}
      %dma_wait3A = arith.constant 0 : i32
      %dma_wait3A_60 = tpu.memref_slice %arg6[%run_scoped3A_43, %dma_wait3A] : memref<4x128xf32, #tpu.memory_space<vmem>> -> memref<1x128xf32, #tpu.memory_space<vmem>>
      %dma_wait3A_61 = tpu.memref_squeeze %dma_wait3A_60 : memref<1x128xf32, #tpu.memory_space<vmem>> -> memref<128xf32, #tpu.memory_space<vmem>>
      %dma_wait3A_62 = arith.constant 0 : i32
      %dma_wait3A_63 = tpu.memref_slice %arg5[%run_scoped3A_44, %dma_wait3A_62] : memref<4x128xi32, #tpu.memory_space<vmem>> -> memref<1x128xi32, #tpu.memory_space<vmem>>
      %dma_wait3A_64 = tpu.memref_squeeze %dma_wait3A_63 : memref<1x128xi32, #tpu.memory_space<vmem>> -> memref<128xi32, #tpu.memory_space<vmem>>
      %dma_wait3A_65 = arith.constant 0 : i32
      %dma_wait3A_66 = tpu.memref_slice %arg9[%dma_wait3A_65] : memref<1024xf32, #tpu.memory_space<vmem_shared>> -> memref<1024xf32, #tpu.memory_space<vmem_shared>>
      tpu.wait_indirect_dma semaphore(%run_scoped3A_52 : memref<!tpu.dma_semaphore, #tpu.memory_space<semaphore_mem>>) src(%dma_wait3A_61 : memref<128xf32, #tpu.memory_space<vmem>>) dst(%dma_wait3A_66 : memref<1024xf32, #tpu.memory_space<vmem_shared>>)
      tpu.yield
    }) : () -> ()
    %run_scoped3A_45 = arith.constant 3 : i32
    "tpu.region"() ({
      %run_scoped3A_52 = tpu.sem_alloc : memref<!tpu.dma_semaphore, #tpu.memory_space<semaphore_mem>>
      %dma_start3A = arith.constant 0 : i32
      %dma_start3A_53 = tpu.memref_slice %arg5[%run_scoped3A_45, %dma_start3A] : memref<4x128xi32, #tpu.memory_space<vmem>> -> memref<1x128xi32, #tpu.memory_space<vmem>>
      %dma_start3A_54 = tpu.memref_squeeze %dma_start3A_53 : memref<1x128xi32, #tpu.memory_space<vmem>> -> memref<128xi32, #tpu.memory_space<vmem>>
      %dma_start3A_55 = arith.constant 0 : i32
      %dma_start3A_56 = tpu.memref_slice %arg10[%dma_start3A_55] : memref<1024xf32, #tpu.memory_space<vmem_shared>> -> memref<1024xf32, #tpu.memory_space<vmem_shared>>
      tpu.enqueue_indirect_dma source(%arg7 : memref<128xf32, #tpu.memory_space<vmem>>) target(%dma_start3A_56 : memref<1024xf32, #tpu.memory_space<vmem_shared>>) offsets(%dma_start3A_54 : memref<128xi32, #tpu.memory_space<vmem>>) semaphore(%run_scoped3A_52 : memref<!tpu.dma_semaphore, #tpu.memory_space<semaphore_mem>>) {add = true}
      %dma_wait3A = arith.constant 0 : i32
      %dma_wait3A_57 = tpu.memref_slice %arg5[%run_scoped3A_45, %dma_wait3A] : memref<4x128xi32, #tpu.memory_space<vmem>> -> memref<1x128xi32, #tpu.memory_space<vmem>>
      %dma_wait3A_58 = tpu.memref_squeeze %dma_wait3A_57 : memref<1x128xi32, #tpu.memory_space<vmem>> -> memref<128xi32, #tpu.memory_space<vmem>>
      %dma_wait3A_59 = arith.constant 0 : i32
      %dma_wait3A_60 = tpu.memref_slice %arg10[%dma_wait3A_59] : memref<1024xf32, #tpu.memory_space<vmem_shared>> -> memref<1024xf32, #tpu.memory_space<vmem_shared>>
      tpu.wait_indirect_dma semaphore(%run_scoped3A_52 : memref<!tpu.dma_semaphore, #tpu.memory_space<semaphore_mem>>) src(%arg7 : memref<128xf32, #tpu.memory_space<vmem>>) dst(%dma_wait3A_60 : memref<1024xf32, #tpu.memory_space<vmem_shared>>)
      tpu.yield
    }) : () -> ()
    %barrier3A_46 = arith.constant 0 : index
    tpu.barrier barrier_id(%barrier3A_46)
    %eq3A_47 = arith.constant 0 : i32
    %eq3A_48 = arith.cmpi eq, %arg1, %eq3A_47 : i32
    %convert_element_type3A_49 = arith.extui %eq3A_48 : i1 to i32
    %cond3A_50 = arith.constant 0 : i32
    %cond3A_51 = arith.cmpi ne, %convert_element_type3A_49, %cond3A_50 : i32
    scf.if %cond3A_51 {
      "tpu.region"() ({
        %run_scoped3A_52 = tpu.sem_alloc : memref<!tpu.dma_semaphore, #tpu.memory_space<semaphore_mem>>
        %dma_start3A = arith.constant 0 : i32
        %dma_start3A_53 = tpu.memref_slice %arg4[%arg0, %dma_start3A] : memref<2x2048xf32, #tpu.memory_space<hbm>> -> memref<1x1024xf32, #tpu.memory_space<hbm>>
        %dma_start3A_54 = tpu.memref_squeeze %dma_start3A_53 : memref<1x1024xf32, #tpu.memory_space<hbm>> -> memref<1024xf32, #tpu.memory_space<hbm>>
        tpu.enqueue_dma source(%arg9 : memref<1024xf32, #tpu.memory_space<vmem_shared>>) target(%dma_start3A_54 : memref<1024xf32, #tpu.memory_space<hbm>>) target_semaphore(%run_scoped3A_52 : memref<!tpu.dma_semaphore, #tpu.memory_space<semaphore_mem>>)
        %dma_wait3A = arith.constant 0 : i32
        %dma_wait3A_55 = tpu.memref_slice %arg4[%arg0, %dma_wait3A] : memref<2x2048xf32, #tpu.memory_space<hbm>> -> memref<1x1024xf32, #tpu.memory_space<hbm>>
        %dma_wait3A_56 = tpu.memref_squeeze %dma_wait3A_55 : memref<1x1024xf32, #tpu.memory_space<hbm>> -> memref<1024xf32, #tpu.memory_space<hbm>>
        tpu.wait_dma2 semaphore(%run_scoped3A_52 : memref<!tpu.dma_semaphore, #tpu.memory_space<semaphore_mem>>) src(%arg9 : memref<1024xf32, #tpu.memory_space<vmem_shared>>) dst(%dma_wait3A_56 : memref<1024xf32, #tpu.memory_space<hbm>>)
        tpu.yield
      }) : () -> ()
      "tpu.region"() ({
        %run_scoped3A_52 = tpu.sem_alloc : memref<!tpu.dma_semaphore, #tpu.memory_space<semaphore_mem>>
        %dma_start3A = arith.constant 1024 : i32
        %dma_start3A_53 = tpu.memref_slice %arg4[%arg0, %dma_start3A] : memref<2x2048xf32, #tpu.memory_space<hbm>> -> memref<1x1024xf32, #tpu.memory_space<hbm>>
        %dma_start3A_54 = tpu.memref_squeeze %dma_start3A_53 : memref<1x1024xf32, #tpu.memory_space<hbm>> -> memref<1024xf32, #tpu.memory_space<hbm>>
        tpu.enqueue_dma source(%arg10 : memref<1024xf32, #tpu.memory_space<vmem_shared>>) target(%dma_start3A_54 : memref<1024xf32, #tpu.memory_space<hbm>>) target_semaphore(%run_scoped3A_52 : memref<!tpu.dma_semaphore, #tpu.memory_space<semaphore_mem>>)
        %dma_wait3A = arith.constant 1024 : i32
        %dma_wait3A_55 = tpu.memref_slice %arg4[%arg0, %dma_wait3A] : memref<2x2048xf32, #tpu.memory_space<hbm>> -> memref<1x1024xf32, #tpu.memory_space<hbm>>
        %dma_wait3A_56 = tpu.memref_squeeze %dma_wait3A_55 : memref<1x1024xf32, #tpu.memory_space<hbm>> -> memref<1024xf32, #tpu.memory_space<hbm>>
        tpu.wait_dma2 semaphore(%run_scoped3A_52 : memref<!tpu.dma_semaphore, #tpu.memory_space<semaphore_mem>>) src(%arg10 : memref<1024xf32, #tpu.memory_space<vmem_shared>>) dst(%dma_wait3A_56 : memref<1024xf32, #tpu.memory_space<hbm>>)
        tpu.yield
      }) : () -> ()
    } else {
    }
    return
  }
}

module attributes {stable_mosaic.version = 14 : i64} {
  func.func @_ce_body(%arg0: i32, %arg1: i32, %arg2: memref<200x16384xf32, #tpu.memory_space<vmem>>, %arg3: memref<16384xi32, #tpu.memory_space<vmem>>, %arg4: memref<16384xf32, #tpu.memory_space<vmem>>, %arg5: memref<1x16384xf32, #tpu.memory_space<vmem>>, %arg6: memref<1x16384xf32, #tpu.memory_space<vmem>>, %arg7: memref<1x16384xf32, #tpu.memory_space<vmem>>) attributes {dimension_semantics = [#tpu.dimension_semantics<arbitrary>, #tpu.dimension_semantics<arbitrary>], iteration_bounds = array<i64: 1, 5>, scalar_prefetch = 0 : i64, scratch_operands = 3 : i64, tpu.core_type = #tpu.core_type<tc>, window_params = [{transform_indices = @transform_0, window_bounds = array<i64: 200, 16384>}, {transform_indices = @transform_1, window_bounds = array<i64: 16384>}, {transform_indices = @transform_2, window_bounds = array<i64: 16384>}]} {
    %eq3A = arith.constant 0 : i32
    %eq3A_0 = arith.cmpi eq, %arg1, %eq3A : i32
    %convert_element_type3A = arith.extui %eq3A_0 : i1 to i32
    %cond3A = arith.constant 0 : i32
    %cond3A_1 = arith.cmpi ne, %convert_element_type3A, %cond3A : i32
    scf.if %cond3A_1 {
      %broadcast_in_dim3A_46 = arith.constant 0xFF800000 : f32
      %broadcast_in_dim3A_47 = vector.broadcast %broadcast_in_dim3A_46 : f32 to vector<1x16384xf32>
      %swap3A_48 = arith.constant 0 : index
      %swap3A_49 = arith.constant 0 : index
      %swap3A_50 = vector.load %arg5[%swap3A_48, %swap3A_49] : memref<1x16384xf32, #tpu.memory_space<vmem>>, vector<1x16384xf32>
      tpu.vector_store %arg5[%swap3A_48, %swap3A_49], %broadcast_in_dim3A_47 {strides = array<i32>} : memref<1x16384xf32, #tpu.memory_space<vmem>>, vector<1x16384xf32>,
      %broadcast_in_dim3A_51 = arith.constant 0.000000e+00 : f32
      %broadcast_in_dim3A_52 = vector.broadcast %broadcast_in_dim3A_51 : f32 to vector<1x16384xf32>
      %swap3A_53 = arith.constant 0 : index
      %swap3A_54 = arith.constant 0 : index
      %swap3A_55 = vector.load %arg6[%swap3A_53, %swap3A_54] : memref<1x16384xf32, #tpu.memory_space<vmem>>, vector<1x16384xf32>
      tpu.vector_store %arg6[%swap3A_53, %swap3A_54], %broadcast_in_dim3A_52 {strides = array<i32>} : memref<1x16384xf32, #tpu.memory_space<vmem>>, vector<1x16384xf32>,
      %broadcast_in_dim3A_56 = arith.constant 0.000000e+00 : f32
      %broadcast_in_dim3A_57 = vector.broadcast %broadcast_in_dim3A_56 : f32 to vector<1x16384xf32>
      %swap3A_58 = arith.constant 0 : index
      %swap3A_59 = arith.constant 0 : index
      %swap3A_60 = vector.load %arg7[%swap3A_58, %swap3A_59] : memref<1x16384xf32, #tpu.memory_space<vmem>>, vector<1x16384xf32>
      tpu.vector_store %arg7[%swap3A_58, %swap3A_59], %broadcast_in_dim3A_57 {strides = array<i32>} : memref<1x16384xf32, #tpu.memory_space<vmem>>, vector<1x16384xf32>,
    } else {
    }
    %get3A = arith.constant 0 : index
    %get3A_2 = arith.constant 0 : index
    %get3A_3 = vector.load %arg2[%get3A, %get3A_2] : memref<200x16384xf32, #tpu.memory_space<vmem>>, vector<200x16384xf32>
    %get3A_4 = arith.constant 0 : index
    %get3A_5 = vector.load %arg3[%get3A_4] : memref<16384xi32, #tpu.memory_space<vmem>>, vector<16384xi32>
    %get3A_6 = arith.constant 0 : index
    %get3A_7 = arith.constant 0 : index
    %get3A_8 = vector.load %arg5[%get3A_6, %get3A_7] : memref<1x16384xf32, #tpu.memory_space<vmem>>, vector<1x16384xf32>
    %reduce_max3A = arith.constant dense<0xFF800000> : vector<16384xf32>
    %reduce_max3A_9 = vector.multi_reduction <maximumf>, %get3A_3, %reduce_max3A [0] : vector<200x16384xf32> to vector<16384xf32>
    %broadcast_in_dim3A = vector.shape_cast %reduce_max3A_9 : vector<16384xf32> to vector<1x16384xf32>
    %max3A = arith.maximumf %get3A_8, %broadcast_in_dim3A : vector<1x16384xf32>
    %sub3A = vector.broadcast %max3A : vector<1x16384xf32> to vector<200x16384xf32>
    %sub3A_10 = arith.subf %get3A_3, %sub3A : vector<200x16384xf32>
    %exp3A = math.exp %sub3A_10 : vector<200x16384xf32>
    %iota3A = tpu.iota {dimensions = array<i32: 0>} : vector<200x16384xi32>
    %mul3A = arith.constant 200 : i32
    %mul3A_11 = arith.muli %arg1, %mul3A : i32
    %add3A = vector.broadcast %mul3A_11 : i32 to vector<200x16384xi32>
    %add3A_12 = arith.addi %iota3A, %add3A : vector<200x16384xi32>
    %broadcast_in_dim3A_13 = vector.shape_cast %get3A_5 : vector<16384xi32> to vector<1x16384xi32>
    %eq3A_14 = vector.broadcast %broadcast_in_dim3A_13 : vector<1x16384xi32> to vector<200x16384xi32>
    %eq3A_15 = arith.cmpi eq, %add3A_12, %eq3A_14 : vector<200x16384xi32>
    %jit3A = arith.constant 0.000000e+00 : f32
    %broadcast_in_dim3A_16 = vector.broadcast %jit3A : f32 to vector<200x16384xf32>
    %select_n3A = arith.select %eq3A_15, %get3A_3, %broadcast_in_dim3A_16 : vector<200x16384xi1>, vector<200x16384xf32>
    %broadcast_in_dim3A_17 = arith.constant 1.000000e+00 : f32
    %broadcast_in_dim3A_18 = vector.broadcast %broadcast_in_dim3A_17 : f32 to vector<1x200xf32>
    %dot_general3A = arith.constant dense<0.000000e+00> : vector<1x16384xf32>
    %dot_general3A_19 = tpu.matmul %broadcast_in_dim3A_18, %exp3A, %dot_general3A {dimension_numbers = #tpu.dot_dimension_numbers<[1], [0], [0], [1], [0, 0, 1, 1], [], []>, transpose_lhs_hint = false} : vector<1x200xf32>, vector<200x16384xf32>, vector<1x16384xf32> -> vector<1x16384xf32>
    %dot_general3A_20 = arith.constant dense<0.000000e+00> : vector<1x16384xf32>
    %dot_general3A_21 = tpu.matmul %broadcast_in_dim3A_18, %select_n3A, %dot_general3A_20 {dimension_numbers = #tpu.dot_dimension_numbers<[1], [0], [0], [1], [0, 0, 1, 1], [], []>, transpose_lhs_hint = false} : vector<1x200xf32>, vector<200x16384xf32>, vector<1x16384xf32> -> vector<1x16384xf32>
    %get3A_22 = arith.constant 0 : index
    %get3A_23 = arith.constant 0 : index
    %get3A_24 = vector.load %arg6[%get3A_22, %get3A_23] : memref<1x16384xf32, #tpu.memory_space<vmem>>, vector<1x16384xf32>
    %sub3A_25 = arith.subf %get3A_8, %max3A : vector<1x16384xf32>
    %exp3A_26 = math.exp %sub3A_25 : vector<1x16384xf32>
    %mul3A_27 = arith.mulf %get3A_24, %exp3A_26 : vector<1x16384xf32>
    %add3A_28 = arith.addf %mul3A_27, %dot_general3A_19 : vector<1x16384xf32>
    %swap3A = arith.constant 0 : index
    %swap3A_29 = arith.constant 0 : index
    %swap3A_30 = vector.load %arg6[%swap3A, %swap3A_29] : memref<1x16384xf32, #tpu.memory_space<vmem>>, vector<1x16384xf32>
    tpu.vector_store %arg6[%swap3A, %swap3A_29], %add3A_28 {strides = array<i32>} : memref<1x16384xf32, #tpu.memory_space<vmem>>, vector<1x16384xf32>,
    %swap3A_31 = arith.constant 0 : index
    %swap3A_32 = arith.constant 0 : index
    %swap3A_33 = vector.load %arg5[%swap3A_31, %swap3A_32] : memref<1x16384xf32, #tpu.memory_space<vmem>>, vector<1x16384xf32>
    tpu.vector_store %arg5[%swap3A_31, %swap3A_32], %max3A {strides = array<i32>} : memref<1x16384xf32, #tpu.memory_space<vmem>>, vector<1x16384xf32>,
    %get3A_34 = arith.constant 0 : index
    %get3A_35 = arith.constant 0 : index
    %get3A_36 = vector.load %arg7[%get3A_34, %get3A_35] : memref<1x16384xf32, #tpu.memory_space<vmem>>, vector<1x16384xf32>
    %add3A_37 = arith.addf %get3A_36, %dot_general3A_21 : vector<1x16384xf32>
    %swap3A_38 = arith.constant 0 : index
    %swap3A_39 = arith.constant 0 : index
    %swap3A_40 = vector.load %arg7[%swap3A_38, %swap3A_39] : memref<1x16384xf32, #tpu.memory_space<vmem>>, vector<1x16384xf32>
    tpu.vector_store %arg7[%swap3A_38, %swap3A_39], %add3A_37 {strides = array<i32>} : memref<1x16384xf32, #tpu.memory_space<vmem>>, vector<1x16384xf32>,
    %eq3A_41 = arith.constant 4 : i32
    %eq3A_42 = arith.cmpi eq, %arg1, %eq3A_41 : i32
    %convert_element_type3A_43 = arith.extui %eq3A_42 : i1 to i32
    %cond3A_44 = arith.constant 0 : i32
    %cond3A_45 = arith.cmpi ne, %convert_element_type3A_43, %cond3A_44 : i32
    scf.if %cond3A_45 {
      %get3A_46 = arith.constant 0 : index
      %get3A_47 = arith.constant 0 : index
      %get3A_48 = vector.load %arg5[%get3A_46, %get3A_47] : memref<1x16384xf32, #tpu.memory_space<vmem>>, vector<1x16384xf32>
      %get3A_49 = arith.constant 0 : index
      %get3A_50 = arith.constant 0 : index
      %get3A_51 = vector.load %arg6[%get3A_49, %get3A_50] : memref<1x16384xf32, #tpu.memory_space<vmem>>, vector<1x16384xf32>
      %log3A = math.log %get3A_51 : vector<1x16384xf32>
      %add3A_52 = arith.addf %get3A_48, %log3A : vector<1x16384xf32>
      %get3A_53 = arith.constant 0 : index
      %get3A_54 = arith.constant 0 : index
      %get3A_55 = vector.load %arg7[%get3A_53, %get3A_54] : memref<1x16384xf32, #tpu.memory_space<vmem>>, vector<1x16384xf32>
      %sub3A_56 = arith.subf %add3A_52, %get3A_55 : vector<1x16384xf32>
      %reshape3A = vector.shape_cast %sub3A_56 : vector<1x16384xf32> to vector<16384xf32>
      %swap3A_57 = arith.constant 0 : index
      %swap3A_58 = vector.load %arg4[%swap3A_57] : memref<16384xf32, #tpu.memory_space<vmem>>, vector<16384xf32>
      tpu.vector_store %arg4[%swap3A_57], %reshape3A {strides = array<i32>} : memref<16384xf32, #tpu.memory_space<vmem>>, vector<16384xf32>,
    } else {
    }
    return
  }
  func.func @transform_0(%arg0: i32, %arg1: i32) -> (i32, i32) {
    %c0_i32 = arith.constant 0 : i32
    return %arg1, %arg0 : i32, i32
  }
  func.func @transform_1(%arg0: i32, %arg1: i32) -> i32 {
    %c0_i32 = arith.constant 0 : i32
    return %arg0 : i32
  }
  func.func @transform_2(%arg0: i32, %arg1: i32) -> i32 {
    %c0_i32 = arith.constant 0 : i32
    return %arg0 : i32
  }
}

</mosaic_0001>

<sc_bundles>
// kernel: kernel.4.cloned.1.call-start
scs
__scs_entry_jumppad:
0x0: {  	(pc) =	sbr.rel $0x88, $3  }
0x1: {  	(tag) =	ssettag $0x0;
	lr =	simm.s32 $0x1  }
0x2: {  	[smem:$0x3F9F] =	sst lr;
	_ =	strace $0xD0000000  }
0x3: {  	_ = 	snop  }
0x4: {  	_ = 	snop  }
0x5: {  	_ = 	snop  }
0x6: {  	_ = 	snop  }
0x7: {  	_ = 	snop  }
__scs_overlays_trampoline_lowered:
0x8: {  	[smem:$0x3FAE] =	sst s0  }
0x9: {  	[smem:$0x3FAF] =	sst s1  }
0xa: {  	[smem:$0x3FB0] =	sst s2  }
0xb: {  	[smem:$0x3FB1] =	sst s3  }
0xc: {  	[smem:$0x3FB2] =	sst s4  }
0xd: {  	[smem:$0x3FB3] =	sst s5  }
0xe: {  	[smem:$0x3FB4] =	sst s6  }
0xf: {  	[smem:$0x3FB5] =	sst s7  }
0x10: {  	[smem:$0x3FB6] =	sst s8  }
0x11: {  	[smem:$0x3FB7] =	sst s9;
	s0 =	simm.s32 @!p0 $0x0  }
0x12: {  	s1 =	sld [smem:$0x3F9D];
	s0 =	simm.s32 @p0 $0x1  }
0x13: {  	[smem:$0x3FB8] =	sst s0;
	s0 =	simm.s32 @!p1 $0x0  }
0x14: {  	s2 =	sld [smem:$0x3F9C];
	s0 =	simm.s32 @p1 $0x1  }
0x15: {  	[smem:$0x3FB9] =	sst s0;
	s0 =	simm.s32 @!p2 $0x0  }
0x16: {  	s3 =	sld [smem:$0x3FDB];
	s0 =	simm.s32 @p2 $0x1  }
0x17: {  	s4 =	simm.s32 $0x1BF5;
	[smem:$0x3FBB] =	sst s0  }
0x18: {  	s0 =	sld [smem:$0x3F9E];
	_ =	swait.ge [sflag:s4], $0x0  }
0x19: {  	s7 =	sld [smem:$0x3F9F]  }
0x1a: {  	s8 =	sadd.s32 $0xFFFFE003, lr  }
0x1b: {  	s9 =	sadd.s32 $0xFFFFFEF7, lr;
	s5 =	simm.s32 $0xFFFFFFFF;
	p2 =	slt.u32 s8, $0xFFFFF086  }
0x1c: {  	p1 =	slt.u32 s9, $0xF7A;
	s5 =	simm.s32 @!p2 $0x0  }
0x1d: {  	s5 =	simm.s32 @p1 $0x1;
	p0 =	seq.s32 s7, s2  }
0x1e: {  	s7 =	smul.u32 @!p0 $0xF7A, s2;
	p2 =	seq.s32 @!p0 s5, $0x0  }
0x1f: {  	s9 =	smul.u32 $0xF7A, s1;
	s8 =	simm.s32 @!p0 $0x1BF5;
	p2 =	por !p2, p0  }
0x20: {  	[sflag:s8] =	ssyncset.s32 @!p0 $0xFFFFF086;
	s6 =	sadd.s32 @!p0 s3, s7;
	s7 =	simm.s32 @!p0 $0x108  }
0x21: {  	s3 =	sadd.s32 s3, s9;
	s6 =	sadd.s32 @!p0 $0x88, s6;
	s7 =	simm.s32 @p2 $0x1082  }
0x22: {  	[simem:s7], [sflag:s8] =	dma.local @!p0 [hbm:s6], $0xF7A  }
0x23: {  	s9 =	sor.u32 $0xD0000000, s2;
	s6 =	simm.s32 $0x108;
	_ =	swait.ge @!p0 [sflag:s8], $0x0  }
0x24: {  	s3 =	sadd.s32 $0x88, s3;
	s6 =	simm.s32 @!p1 $0x1082;
	[sflag:s4] =	ssyncset.s32 $0xFFFFF086  }
0x25: {  	[simem:s6], [sflag:s4] =	dma.local [hbm:s3], $0xF7A  }
0x26: {  	[smem:$0x3F9F] =	sst s1;
	(tag) =	ssettag s2;
	_ =	strace s9  }
0x27: {  	s1 =	sld [smem:$0x3FAF]  }
0x28: {  	s2 =	sld [smem:$0x3FB0]  }
0x29: {  	s4 =	sld [smem:$0x3FB2]  }
0x2a: {  	p0 =	seq.s32 s5, $0x0;
	s5 =	sld [smem:$0x3FB3]  }
0x2b: {  	s6 =	sld [smem:$0x3FB4]  }
0x2c: {  	s7 =	sld [smem:$0x3FB5]  }
0x2d: {  	s3 =	simm.s32 $0x108;
	s8 =	sld [smem:$0x3FB6]  }
0x2e: {  	s3 =	simm.s32 @!p0 $0x1082;
	s9 =	sld [smem:$0x3FB7]  }
0x2f: {  	lr =	sadd.s32 s0, s3;
	s0 =	sld [smem:$0x3FAE]  }
0x30: {  	s3 =	sld [smem:$0x3FB1]  }
0x31: {  	[smem:$0x3FBA] =	sst s10  }
0x32: {  	s10 =	sld [smem:$0x3FB8];
	_ =	sdelay $0x3  }
0x33: {  	p0 =	seq.s32 s10, $0x1;
	s10 =	sld [smem:$0x3FBA];
	_ =	sdelay $0x3  }
0x34: {  	[smem:$0x3FBA] =	sst s10  }
0x35: {  	s10 =	sld [smem:$0x3FB9];
	_ =	sdelay $0x3  }
0x36: {  	p1 =	seq.s32 s10, $0x1;
	s10 =	sld [smem:$0x3FBA];
	_ =	sdelay $0x3  }
0x37: {  	[smem:$0x3FBA] =	sst s10  }
0x38: {  	s10 =	sld [smem:$0x3FBB]  }
0x39: {  	_ = 	snop;
	(pc) =	sbr.ind lr, $3  }
0x3a: {  	_ = 	snop  }
0x3b: {  	_ = 	snop  }
0x3c: {  	p2 =	seq.s32 s10, $0x1;
	s10 =	sld [smem:$0x3FBA]  }
0x3d: {  	_ =	shalt  }
0x3e: {  	_ =	shalt  }
0x3f: {  	_ =	shalt  }
0x40: {  	_ =	shalt  }
0x41: {  	_ =	shalt  }
0x42: {  	_ =	shalt  }
0x43: {  	_ =	shalt  }
0x44: {  	_ =	shalt  }
0x45: {  	_ =	shalt  }
0x46: {  	_ =	shalt  }
0x47: {  	_ =	shalt  }
0x48: {  	_ =	shalt  }
0x49: {  	_ =	shalt  }
0x4a: {  	_ =	shalt  }
0x4b: {  	_ =	shalt  }
0x4c: {  	_ =	shalt  }
0x4d: {  	_ =	shalt  }
0x4e: {  	_ =	shalt  }
0x4f: {  	_ =	shalt  }
0x50: {  	_ =	shalt  }
0x51: {  	_ =	shalt  }
0x52: {  	_ =	shalt  }
0x53: {  	_ =	shalt  }
0x54: {  	_ =	shalt  }
0x55: {  	_ =	shalt  }
0x56: {  	_ =	shalt  }
0x57: {  	_ =	shalt  }
0x58: {  	_ =	shalt  }
0x59: {  	_ =	shalt  }
0x5a: {  	_ =	shalt  }
0x5b: {  	_ =	shalt  }
0x5c: {  	_ =	shalt  }
0x5d: {  	_ =	shalt  }
0x5e: {  	_ =	shalt  }
0x5f: {  	_ =	shalt  }
0x60: {  	_ =	shalt  }
0x61: {  	_ =	shalt  }
0x62: {  	_ =	shalt  }
0x63: {  	_ =	shalt  }
0x64: {  	_ =	shalt  }
0x65: {  	_ =	shalt  }
0x66: {  	_ =	shalt  }
0x67: {  	_ =	shalt  }
0x68: {  	_ =	shalt  }
0x69: {  	_ =	shalt  }
0x6a: {  	_ =	shalt  }
0x6b: {  	_ =	shalt  }
0x6c: {  	_ =	shalt  }
0x6d: {  	_ =	shalt  }
0x6e: {  	_ =	shalt  }
0x6f: {  	_ =	shalt  }
0x70: {  	_ =	shalt  }
0x71: {  	_ =	shalt  }
0x72: {  	_ =	shalt  }
0x73: {  	_ =	shalt  }
0x74: {  	_ =	shalt  }
0x75: {  	_ =	shalt  }
0x76: {  	_ =	shalt  }
0x77: {  	_ =	shalt  }
0x78: {  	_ =	shalt  }
0x79: {  	_ =	shalt  }
0x7a: {  	_ =	shalt  }
0x7b: {  	_ =	shalt  }
0x7c: {  	_ =	shalt  }
0x7d: {  	_ =	shalt  }
0x7e: {  	_ =	shalt  }
0x7f: {  	_ =	shalt  }
0x80: {  	_ =	shalt  }
0x81: {  	_ =	shalt  }
0x82: {  	_ =	shalt  }
0x83: {  	_ =	shalt  }
0x84: {  	_ =	shalt  }
0x85: {  	_ =	shalt  }
0x86: {  	_ =	shalt  }
0x87: {  	_ =	shalt  }
.Lfunc_end0:
.L_simem_size_0:
called_computation_lowered:
.L_overlay_start_0:
0x88: {  	s2 =	sld [smem:$0x3FD9]  }
0x89: {  	s3 =	sld [smem:$0x3FFE];
	_ =	sdelay $0x1  }
0x8a: {  	s1 =	srdreg.scid  }
0x8b: {  	s0 =	sand.u32 $0x1, s1  }
0x8c: {  	s17 =	sshll.u32 s0, $0xA;
	s2 =	sadd.s32 s3, s2  }
0x8d: {  	s2 =	sadd.s32 s2, s17  }
0x8e: {  	[smem:$0x3FC6] =	sst s2  }
0x8f: {  	_ = 	snop  }
0x90: {  	s2 =	sld [smem:$0x3FC8];
	(tm) =	ssettm $0x1  }
0x91: {  	s18 =	sld [smem:$0x3FFB];
	_ =	sdelay $0x3  }
0x92: {  	_ =	strace s18  }
0x93: {  	s3 =	sld [smem:$0x3FFC];
	_ =	sdelay $0x3  }
0x94: {  	_ =	strace s3  }
0x95: {  	s3 =	sld [smem:$0x3FFD];
	_ =	sdelay $0x3  }
0x96: {  	_ =	strace s3  }
0x97: {  	_ =	strace $0x8FFFFFFF  }
0x98: {  	s19 =	sld [smem:$0x3FDB];
	_ =	sdelay $0x1  }
0x99: {  	s4 =	simm.s32 $_scs_section_size  }
0x9a: {  	s5 =	simm.s32 $_size__tile_overlayer_lowered;
	s6 =	simm.s32 $_tile_overlayer_lowered  }
0x9b: {  	s22 =	simm.s32 $0x1BFF;
	s21 =	sshll.u32 s6, $0x1;
	s3 =	sadd.s32 s4, s19  }
0x9c: {  	s7 =	simm.s32 $0x0;
	s20 =	sshll.u32 s5, $0x1;
	s5 =	sadd.s32 s21, s3  }
0x9d: {  	[timem:s7], [sflag:s22] =	dma.local [hbm:s5], s20  }
0x9e: {  	_ =	swait.ge [sflag:s22], s20  }
0x9f: {  	s4 =	ssub.s32 $0x0, s20;
	[sflag:s22] =	ssyncset.done $0x0  }
0xa0: {  	[sflag:s22] =	ssyncadd.s32 s4;
	_ =	sdelay $0x1  }
0xa1: {  	s23 =	simm.s32 $0x1B8B  }
0xa2: {  	_ =	swait.ge [sflag:s23], $0x1  }
0xa3: {  	[sflag:s23] =	ssyncset.done $0x0  }
0xa4: {  	s25 =	simm.s32 $0x1B8E;
	s24 =	sld [smem:$0x3FFE];
	[sflag:s23] =	ssyncadd.s32 $0xFFFFFFFF  }
0xa5: {  	s26 =	simm.s32 $execute0_lowered;
	[smem:$0x3FD2] =	sst s25  }
0xa6: {  	s5 =	sshll.u32 s26, $0x1;
	_ =	strace $0x80000046;
	[dreg:$0x1] =	wrdreg $0xFFFFFFFF  }
0xa7: {  	s28 =	simm.s32 $_size_execute0_lowered;
	s3 =	sadd.s32 s3, s5;
	[dreg:$0x0] =	wrdreg $0x0  }
0xa8: {  	s5 =	sshll.u32 s28, $0x1;
	[dreg:$0x2] =	wrdreg s3  }
0xa9: {  	[dreg:$0x3] =	wrdreg s5  }
0xaa: {  	[dreg:$0x4] =	wrdreg $0xC0  }
0xab: {  	_ =	task [dreg:s7], $0x5FFFF  }
0xac: {  	[dreg:$0x1] =	wrdreg $0xFFFFFFFF  }
0xad: {  	[dreg:$0x0] =	wrdreg $0x60  }
0xae: {  	[dreg:$0x2] =	wrdreg s24  }
0xaf: {  	[dreg:$0x3] =	wrdreg s2  }
0xb0: {  	[dreg:$0x4] =	wrdreg $0x8800  }
0xb1: {  	[dreg:$0x5] =	wrdreg $0x8C00  }
0xb2: {  	[dreg:$0x6] =	wrdreg $0x9  }
0xb3: {  	_ =	task.clear_ibuf [dreg:s7], $0x7FFFF;
	_ =	strace $0x90000046  }
0xb4: {  	s29 =	simm.s32 $0x9;
	_ =	strace $0x80000048  }
0xb5: {  	_ =	swait.ge [sflag:s29], $0x1  }
0xb6: {  	[sflag:s29] =	ssyncadd.s32 $0xFFFFFFFF  }
0xb7: {  	_ =	strace $0x90000048  }
0xb8: {  	_ =	sfence  }
0xb9: {  	s30 =	sld [smem:$0x0];
	_ =	sdelay $0x2  }
0xba: {  	s31 =	sshll.u32 s1, $0xD;
	s1 =	sshrl.u32 s1, $0x2  }
0xbb: {  	s3 =	sand.u32 $0x4000, s31;
	s1 =	sadd.s32 s1, s30  }
0xbc: {  	s0 =	sor.u32 s3, s0;
	s1 =	sshll.u32 s1, $0x11  }
0xbd: {  	s0 =	sor.u32 s1, s0  }
0xbe: {  	s0 =	sadd.s32 $0x8F2B, s0  }
0xbf: {  	[sflag:s0] =	ssyncadd.remote.s32 $0x1  }
0xc0: {  	_ =	sfence.sel $0xFFFF  }
0xc1: {  	[dreg:$0x0] =	wrdreg $0xFFFFFFFF;
	(pc) =	sbr.abs _section_cstart, $3  }
0xc2: {  	[dreg:$0x1] =	wrdreg $0xFFFFFFFF  }
0xc3: {  	_ =	task.clear_ibuf [dreg:s7], $0x2FFFF;
	_ =	strace $0x9FFFFFFF  }
0xc4: {  	(tm) =	ssettm $0x7FFFFFFF  }
0xc5: {  	_ =	shalt  }
tec
execute0_lowered:
.L_overlay_start_1:
0x0: {  	(tag) =	ssettag $0x1  }
0x1: {  	s4 =	rddreg [dreg:$0x0]  }
0x2: {  	s5 =	rddreg [dreg:$0x1]  }
0x3: {  	s1 =	rddreg [dreg:$0x2]  }
0x4: {  	s2 =	rddreg [dreg:$0x3]  }
0x5: {  	s0 =	rddreg [dreg:$0x4];
	s3 =	simm.s32 $0x0  }
0x6: {  	s6 =	srdreg.scid;
	s9 =	stileid.u32;
	s13 =	simm.s32 $0x400  }
0x7: {  	s14 =	simm.s32 $0x280;
	s15 =	simm.s32 $0x100;
	s16 =	simm.s32 $0x300  }
0x8: {  	s17 =	simm.s32 $0x180;
	s18 =	simm.s32 $0x380;
	[smem:$0x7FF] =	sst s3  }
0x9: {  	s6 =	sand.u32 $0x1, s6;
	s8 =	sshll.u32 s9, $0x6;
	p0 =	sne.s32 s9, $0x0  }
0xa: {  	s9 =	simm.s32 $0x480;
	_ =	strace $0x80000047;
	s7 =	sshll.u32 s6, $0xA  }
0xb: {  	s10 =	ssub.s32 $0x2, s6;
	s6 =	sshll.u32 s6, $0x4;
	s19 =	sshrl.u32 @!p0 s1, $0x3  }
.Ltmp0:
0xc: {  	s20 =	sshrl.u32 @!p0 s2, $0x3;
	s7 =	sor.u32 s8, s7;
	(pc) =	sbr.rel .LBB2_1-.Ltmp0, $4  }
0xd: {  	s31 =	sshrl.u32 s10, $0x1;
	s12 =	sadd.s32 s6, s4;
	s11 =	sadd.s32 s7, s4  }
0xe: {  	s8 =	ssub.s32 s10, s31;
	s4 =	sadd.s32 s5, s7;
	s6 =	sadd.s32 $0xE00, s12  }
0xf: {  	s7 =	sadd.s32 $0xF00, s12;
	s10 =	simm.s32 $0x1;
	s12 =	simm.s32 $0x80  }
0x10: {  	v0 =	vimm.f32 $1.000000000e+00;
	v1 =	vimm.f32 $0.0e+00;
	s5 =	sadd.s32 $0x600, s11;
	s8 =	smax.u32 s8, $0x1;
	s11 =	simm.s32 $0x200  }
.LBB2_3:
0x11: {  	[tilespmem:s3], [sflag:$0x1] =	stream.linear.gather [hbm4b:s4+s3], $0x200, $0x38;
	[tilespmem:$0x900] =	vst v63  }
0x12: {  	_ =	swait.ge [sflag:s10], $0x200  }
0x13: {  	[sflag:s10] =	ssyncset.done $0x0  }
0x14: {  	[sflag:s10] =	ssyncadd.s32 $0xFFFFFE00  }
0x15: {  	[tilespmem:s11], [sflag:$0x1] =	stream.linear.gather [hbm4b:s5+s3], $0x200, $0x38;
	[tilespmem:$0x900] =	vst v63  }
0x16: {  	_ =	swait.ge [sflag:s10], $0x200  }
0x17: {  	[sflag:s10] =	ssyncset.done $0x0  }
0x18: {  	[sflag:s10] =	ssyncadd.s32 $0xFFFFFE00  }
0x19: {  	[bflag:$0x0] =	sbarrier.arrive $0xFFFF  }
0x1a: {  	[spmem:s1] =	stream.indirect.scatter.add.f32 [tilespmem:s11], [sflag:$0x1], $0x1, s3, s12, $0xb8;
	[tilespmem:$0x900] =	vst v63  }
0x1b: {  	_ =	swait.ge [sflag:s10], $0x80  }
0x1c: {  	[sflag:s10] =	ssyncset.done $0x0  }
0x1d: {  	[sflag:s10] =	ssyncadd.s32 $0xFFFFFF80  }
0x1e: {  	[spmem:s2] =	stream.indirect.scatter.add.f32 [tilespmem:s13], [sflag:$0x1], $0x1, s3, s12, $0xb8;
	[tilespmem:$0x900] =	vst v63  }
0x1f: {  	_ =	swait.ge [sflag:s10], $0x80  }
0x20: {  	[sflag:s10] =	ssyncset.done $0x0  }
0x21: {  	[sflag:s10] =	ssyncadd.s32 $0xFFFFFF80  }
0x22: {  	[spmem:s1] =	stream.indirect.scatter.add.f32 [tilespmem:s14], [sflag:$0x1], $0x1, s12, s12, $0xb8;
	[tilespmem:$0x900] =	vst v63  }
0x23: {  	_ =	swait.ge [sflag:s10], $0x80  }
0x24: {  	[sflag:s10] =	ssyncset.done $0x0  }
0x25: {  	[sflag:s10] =	ssyncadd.s32 $0xFFFFFF80  }
0x26: {  	[spmem:s2] =	stream.indirect.scatter.add.f32 [tilespmem:s13], [sflag:$0x1], $0x1, s12, s12, $0xb8;
	[tilespmem:$0x900] =	vst v63  }
0x27: {  	_ =	swait.ge [sflag:s10], $0x80  }
0x28: {  	[sflag:s10] =	ssyncset.done $0x0  }
0x29: {  	[sflag:s10] =	ssyncadd.s32 $0xFFFFFF80  }
0x2a: {  	[spmem:s1] =	stream.indirect.scatter.add.f32 [tilespmem:s16], [sflag:$0x1], $0x1, s15, s12, $0xb8;
	[tilespmem:$0x900] =	vst v63  }
0x2b: {  	_ =	swait.ge [sflag:s10], $0x80  }
0x2c: {  	[sflag:s10] =	ssyncset.done $0x0  }
0x2d: {  	[sflag:s10] =	ssyncadd.s32 $0xFFFFFF80  }
0x2e: {  	[spmem:s2] =	stream.indirect.scatter.add.f32 [tilespmem:s13], [sflag:$0x1], $0x1, s15, s12, $0xb8;
	[tilespmem:$0x900] =	vst v63  }
0x2f: {  	_ =	swait.ge [sflag:s10], $0x80  }
0x30: {  	[sflag:s10] =	ssyncset.done $0x0  }
0x31: {  	[sflag:s10] =	ssyncadd.s32 $0xFFFFFF80  }
0x32: {  	[spmem:s1] =	stream.indirect.scatter.add.f32 [tilespmem:s18], [sflag:$0x1], $0x1, s17, s12, $0xb8;
	[tilespmem:$0x900] =	vst v63  }
0x33: {  	_ =	swait.ge [sflag:s10], $0x80  }
0x34: {  	[sflag:s10] =	ssyncset.done $0x0  }
0x35: {  	[sflag:s10] =	ssyncadd.s32 $0xFFFFFF80  }
0x36: {  	[spmem:s2] =	stream.indirect.scatter.add.f32 [tilespmem:s13], [sflag:$0x1], $0x1, s17, s12, $0xb8;
	[tilespmem:$0x900] =	vst v63  }
0x37: {  	_ =	swait.ge [sflag:s10], $0x80  }
0x38: {  	[sflag:s10] =	ssyncset.done $0x0  }
0x39: {  	s21 =	simm.s32 @!p0 $0x1;
	s22 =	simm.s32 @!p0 $0x20;
	[sflag:s10] =	ssyncadd.s32 $0xFFFFFF80  }
0x3a: {  	s23 =	simm.s32 @!p0 $0x10;
	s24 =	simm.s32 @!p0 $0x1C01;
	[bflag:$0x0] =	sbarrier.arrive $0xFFFF  }
0x3b: {  	[hbm:s6@s22], [sflag:s24] =	dma.strided @!p0 [spmem:s19@s23], $0x80, s21, $0x10   }
0x3c: {  	s8 =	sadd.s32 $0xFFFFFFFF, s8;
	_ =	swait.ge @!p0 [sflag:s21], $0x80  }
0x3d: {  	p1 =	sne.s32 s8, $0x0;
	[sflag:s21] =	ssyncset.done @!p0 $0x0  }
.Ltmp1:
0x3e: {  	[sflag:s21] =	ssyncadd.s32 @!p0 $0xFFFFFF80;
	(pc) =	sbr.rel @!p1 .LBB2_4-.Ltmp1, $4  }
0x3f: {  	[hbm:s7@s22], [sflag:s24] =	dma.strided @!p0 [spmem:s20@s23], $0x80, s21, $0x10   }
0x40: {  	_ =	swait.ge @!p0 [sflag:s21], $0x80  }
0x41: {  	[sflag:s21] =	ssyncset.done @!p0 $0x0  }
0x42: {  	[sflag:s21] =	ssyncadd.s32 @!p0 $0xFFFFFF80  }
.LBB2_1:
0x43: {  	[tilespmem:$0x400] =	vst v0  }
0x44: {  	[tilespmem:$0x410] =	vst v0  }
0x45: {  	[tilespmem:$0x420] =	vst v0  }
.Ltmp2:
0x46: {  	[tilespmem:$0x430] =	vst v0;
	(pc) =	sbr.rel @p0 .LBB2_3-.Ltmp2, $4  }
0x47: {  	[tilespmem:$0x440] =	vst v0  }
0x48: {  	[tilespmem:$0x450] =	vst v0  }
0x49: {  	[tilespmem:$0x460] =	vst v0  }
0x4a: {  	[tilespmem:$0x470] =	vst v0  }
0x4b: {  	[tilespmem:$0x480] =	vst v1  }
0x4c: {  	[tilespmem:$0x490] =	vst v1  }
0x4d: {  	[tilespmem:$0x4A0] =	vst v1  }
0x4e: {  	[tilespmem:$0x4B0] =	vst v1  }
0x4f: {  	[tilespmem:$0x4C0] =	vst v1  }
0x50: {  	[tilespmem:$0x4D0] =	vst v1  }
0x51: {  	[tilespmem:$0x4E0] =	vst v1  }
0x52: {  	[tilespmem:$0x4F0] =	vst v1  }
0x53: {  	[tilespmem:$0x500] =	vst v1  }
0x54: {  	[tilespmem:$0x510] =	vst v1  }
0x55: {  	[tilespmem:$0x520] =	vst v1  }
0x56: {  	[tilespmem:$0x530] =	vst v1  }
0x57: {  	[tilespmem:$0x540] =	vst v1  }
0x58: {  	[tilespmem:$0x550] =	vst v1  }
0x59: {  	[tilespmem:$0x560] =	vst v1  }
0x5a: {  	[tilespmem:$0x570] =	vst v1  }
0x5b: {  	[tilespmem:$0x580] =	vst v1  }
0x5c: {  	[tilespmem:$0x590] =	vst v1  }
0x5d: {  	[tilespmem:$0x5A0] =	vst v1  }
0x5e: {  	[tilespmem:$0x5B0] =	vst v1  }
0x5f: {  	[tilespmem:$0x5C0] =	vst v1  }
0x60: {  	[tilespmem:$0x5D0] =	vst v1  }
0x61: {  	[tilespmem:$0x5E0] =	vst v1  }
0x62: {  	[tilespmem:$0x5F0] =	vst v1  }
0x63: {  	[tilespmem:$0x600] =	vst v1  }
0x64: {  	[tilespmem:$0x610] =	vst v1  }
0x65: {  	[tilespmem:$0x620] =	vst v1  }
0x66: {  	[tilespmem:$0x630] =	vst v1  }
0x67: {  	[tilespmem:$0x640] =	vst v1  }
0x68: {  	[tilespmem:$0x650] =	vst v1  }
0x69: {  	[tilespmem:$0x660] =	vst v1  }
0x6a: {  	[tilespmem:$0x670] =	vst v1  }
0x6b: {  	[tilespmem:$0x680] =	vst v1  }
0x6c: {  	[tilespmem:$0x690] =	vst v1  }
0x6d: {  	[tilespmem:$0x6A0] =	vst v1  }
0x6e: {  	[tilespmem:$0x6B0] =	vst v1  }
0x6f: {  	[tilespmem:$0x6C0] =	vst v1  }
0x70: {  	[tilespmem:$0x6D0] =	vst v1  }
0x71: {  	[tilespmem:$0x6E0] =	vst v1  }
0x72: {  	[tilespmem:$0x6F0] =	vst v1  }
0x73: {  	[tilespmem:$0x700] =	vst v1  }
0x74: {  	[tilespmem:$0x710] =	vst v1  }
0x75: {  	[tilespmem:$0x720] =	vst v1  }
0x76: {  	[tilespmem:$0x730] =	vst v1  }
0x77: {  	[tilespmem:$0x740] =	vst v1  }
0x78: {  	[tilespmem:$0x750] =	vst v1  }
0x79: {  	[tilespmem:$0x760] =	vst v1  }
0x7a: {  	[tilespmem:$0x770] =	vst v1  }
0x7b: {  	[tilespmem:$0x780] =	vst v1  }
0x7c: {  	[tilespmem:$0x790] =	vst v1  }
0x7d: {  	[tilespmem:$0x7A0] =	vst v1  }
0x7e: {  	[tilespmem:$0x7B0] =	vst v1  }
0x7f: {  	[tilespmem:$0x7C0] =	vst v1  }
0x80: {  	[tilespmem:$0x7D0] =	vst v1  }
0x81: {  	[tilespmem:$0x7E0] =	vst v1  }
0x82: {  	[tilespmem:$0x7F0] =	vst v1  }
0x83: {  	[tilespmem:$0x800] =	vst v1  }
0x84: {  	[tilespmem:$0x810] =	vst v1  }
0x85: {  	[tilespmem:$0x820] =	vst v1  }
0x86: {  	[tilespmem:$0x830] =	vst v1  }
0x87: {  	[tilespmem:$0x840] =	vst v1  }
0x88: {  	[tilespmem:$0x850] =	vst v1  }
0x89: {  	[tilespmem:$0x860] =	vst v1  }
0x8a: {  	[tilespmem:$0x870] =	vst v1  }
0x8b: {  	[spmem:s1] =	stream.linear.scatter [tilespmem:s9], [sflag:$0x1], $0x400, $0x38;
	[tilespmem:$0x900] =	vst v63  }
0x8c: {  	_ =	swait.ge [sflag:s10], $0x400  }
0x8d: {  	[sflag:s10] =	ssyncset.done $0x0  }
.Ltmp3:
0x8e: {  	[sflag:s10] =	ssyncadd.s32 $0xFFFFFC00;
	(pc) =	sbr.rel .LBB2_3-.Ltmp3, $4  }
0x8f: {  	[spmem:s2] =	stream.linear.scatter [tilespmem:s9], [sflag:$0x1], $0x400, $0x38;
	[tilespmem:$0x900] =	vst v63  }
0x90: {  	_ =	swait.ge [sflag:s10], $0x400  }
0x91: {  	[sflag:s10] =	ssyncset.done $0x0  }
0x92: {  	[sflag:s10] =	ssyncadd.s32 $0xFFFFFC00  }
.LBB2_4:
0x93: {  	_ =	sfence.sel $0x180000  }
0x94: {  	[bflag:$0x0] =	sbarrier.arrive $0xFFFF  }
0x95: {  	_ =	strace $0x90000047  }
0x96: {  	s0 =	sadd.s32 @!p0 $0x100000, s0;
	[bflag:$0x2] =	sbarrier.arrive $0xFFFF  }
0x97: {  	[sflag:s0] =	ssyncadd.tile.s32 @!p0 $0x1;
	_ =	shalt  }
.Lfunc_end2:
_tile_overlayer_lowered:
.L_overlay_start_2:
0x98: {  	(tag) =	ssettag $0x2  }
0x99: {  	s0 =	rddreg [dreg:$0x0];
	s2 =	stileid.u32  }
0x9a: {  	s1 =	rddreg [dreg:$0x1];
	p0 =	sne.s32 s2, $0x0  }
0x9b: {  	s3 =	rddreg [dreg:$0x2];
	[bflag:$0x3] =	sbarrier.arrive $0xFFFF;
	s2 =	simm.s32 @!p0 $0x1C01  }
0x9c: {  	[timem:s3], [sflag:s2] =	dma.local @!p0 [hbm:s0], s1  }
0x9d: {  	s0 =	simm.s32 @!p0 $0x1  }
0x9e: {  	_ =	swait.ge @!p0 [sflag:s0], s1  }
0x9f: {  	s1 =	ssub.s32 @!p0 $0x0, s1;
	[sflag:s0] =	ssyncset.done @!p0 $0x0  }
0xa0: {  	[sflag:s0] =	ssyncadd.s32 @!p0 s1  }
0xa1: {  	[bflag:$0x3] =	sbarrier.arrive $0xFFFF  }
0xa2: {  	_ =	shalt  }

</sc_bundles>
